<compile_context>
chip_gen: v7x
topology: tpu7x:2x2x1
jax: 0.10.2.dev20260603
libtpu: 0.0.44.dev20260713+nightly
codegen_flags: <defaults>
</compile_context>

<pallas_src>
import jax
import jax.numpy as jnp
from jax.experimental import pallas as pl

N = 50000
E = 800000
NC = 2


def _bn(x, g, b, axes, ch_axis):
    m = jnp.mean(x, axis=axes, keepdims=True)
    v = jnp.var(x, axis=axes, keepdims=True)
    xn = (x - m) / jnp.sqrt(v + 1e-5)
    shp = [1] * x.ndim
    shp[ch_axis] = -1
    return xn * g.reshape(shp) + b.reshape(shp)


def _lrelu(x):
    return jnp.where(x >= 0, x, 0.01 * x)


def _mean_kernel(p_ref, o_ref):
    o_ref[...] = jnp.mean(p_ref[...], axis=-1, keepdims=True)


def _final_mean(p):
    n, c = p.shape
    blk = 2000
    return pl.pallas_call(
        _mean_kernel,
        grid=(n // blk,),
        in_specs=[pl.BlockSpec((blk, c), lambda i: (i, 0))],
        out_specs=pl.BlockSpec((blk, 1), lambda i: (i, 0)),
        out_shape=jax.ShapeDtypeStruct((n, 1), jnp.float32),
    )(p)


def kernel(node_feat, edge_feat, edge_index, W_node_emb, b_node_emb, W_edge_emb, b_edge_emb,
           msg_W1, msg_b1, msg_W2, msg_b2,
           upd_W1, upd_b1, upd_g1, upd_be1, upd_W2, upd_b2, upd_g2, upd_be2,
           pool_W, pool_b, pool_g, pool_be,
           mlp1_W, mlp1_b, mlp1_g, mlp1_be, mlp2_W, mlp2_b, mlp2_g, mlp2_be):
    x = node_feat @ W_node_emb + b_node_emb
    ea = edge_feat @ W_edge_emb + b_edge_emb
    src = edge_index[0]
    dst = edge_index[1]
    for l in range(NC):
        h_j = x[src]
        h_i = x[dst]
        m = jnp.concatenate([h_i, h_j, ea], axis=-1)
        m = _lrelu(m @ msg_W1[l] + msg_b1[l])
        m = _lrelu(m @ msg_W2[l] + msg_b2[l])
        aggr = jax.ops.segment_sum(m, dst, num_segments=N)
        u = jnp.concatenate([x, aggr], axis=-1)
        u = u @ upd_W1[l] + upd_b1[l]
        u = _lrelu(_bn(u, upd_g1[l], upd_be1[l], (0, 2), 1))
        u = u @ upd_W2[l] + upd_b2[l]
        u = _lrelu(_bn(u, upd_g2[l], upd_be2[l], (0, 2), 1))
        x = x + u
    p = jnp.concatenate([x[:, i, :] for i in range(5)], axis=-1)
    p = jax.nn.relu(_bn(p @ pool_W + pool_b, pool_g, pool_be, (0,), 1))
    p = jax.nn.relu(_bn(p @ mlp1_W + mlp1_b, mlp1_g, mlp1_be, (0,), 1))
    p = jax.nn.relu(_bn(p @ mlp2_W + mlp2_b, mlp2_g, mlp2_be, (0,), 1))
    return _final_mean(p)

# --- scband reference (transcript-rebuilt; emitter-appended) ---
"""Pipeline reference for scband-gnnmodel-43104291783409 (READ-ONLY COPY).

The authoritative reference and input builder live on the scoring server;
editing this copy changes nothing except your own understanding.
"""

import jax, jax.numpy as jnp
import numpy as np

N = 50000
E = 800000
NF = 7
EF = 2
ND = 16
ED = 4
NC = 2
PD = 32


def _bn(x, g, b, axes, ch_axis):
    m = jnp.mean(x, axis=axes, keepdims=True)
    v = jnp.var(x, axis=axes, keepdims=True)
    xn = (x - m) / jnp.sqrt(v + 1e-5)
    shp = [1] * x.ndim
    shp[ch_axis] = -1
    return xn * g.reshape(shp) + b.reshape(shp)


def _lrelu(x):
    return jnp.where(x >= 0, x, 0.01 * x)


def setup_inputs(seed: int = 0):
    key = jax.random.key(seed)
    ks = jax.random.split(key, 32)
    s = 0.1
    d = {}
    d["node_feat"] = jax.random.normal(ks[0], (N, 5, NF), dtype=jnp.float32)
    d["edge_feat"] = jax.random.normal(ks[1], (E, 5, EF), dtype=jnp.float32)
    d["edge_index"] = jax.random.randint(ks[2], (2, E), 0, N, dtype=jnp.int32)
    d["W_node_emb"] = s * jax.random.normal(ks[3], (NF, ND), dtype=jnp.float32)
    d["b_node_emb"] = jnp.zeros((ND,), dtype=jnp.float32)
    d["W_edge_emb"] = s * jax.random.normal(ks[4], (EF, ED), dtype=jnp.float32)
    d["b_edge_emb"] = jnp.zeros((ED,), dtype=jnp.float32)
    d["msg_W1"] = s * jax.random.normal(ks[5], (NC, 2 * ND + ED, ND), dtype=jnp.float32)
    d["msg_b1"] = jnp.zeros((NC, ND), dtype=jnp.float32)
    d["msg_W2"] = s * jax.random.normal(ks[6], (NC, ND, ND), dtype=jnp.float32)
    d["msg_b2"] = jnp.zeros((NC, ND), dtype=jnp.float32)
    d["upd_W1"] = s * jax.random.normal(ks[7], (NC, 2 * ND, ND), dtype=jnp.float32)
    d["upd_b1"] = jnp.zeros((NC, ND), dtype=jnp.float32)
    d["upd_g1"] = jnp.ones((NC, 5), dtype=jnp.float32)
    d["upd_be1"] = jnp.zeros((NC, 5), dtype=jnp.float32)
    d["upd_W2"] = s * jax.random.normal(ks[8], (NC, ND, ND), dtype=jnp.float32)
    d["upd_b2"] = jnp.zeros((NC, ND), dtype=jnp.float32)
    d["upd_g2"] = jnp.ones((NC, 5), dtype=jnp.float32)
    d["upd_be2"] = jnp.zeros((NC, 5), dtype=jnp.float32)
    d["pool_W"] = s * jax.random.normal(ks[9], (5 * ND, PD), dtype=jnp.float32)
    d["pool_b"] = jnp.zeros((PD,), dtype=jnp.float32)
    d["pool_g"] = jnp.ones((PD,), dtype=jnp.float32)
    d["pool_be"] = jnp.zeros((PD,), dtype=jnp.float32)
    d["mlp1_W"] = s * jax.random.normal(ks[10], (32, 64), dtype=jnp.float32)
    d["mlp1_b"] = jnp.zeros((64,), dtype=jnp.float32)
    d["mlp1_g"] = jnp.ones((64,), dtype=jnp.float32)
    d["mlp1_be"] = jnp.zeros((64,), dtype=jnp.float32)
    d["mlp2_W"] = s * jax.random.normal(ks[11], (64, 32), dtype=jnp.float32)
    d["mlp2_b"] = jnp.zeros((32,), dtype=jnp.float32)
    d["mlp2_g"] = jnp.ones((32,), dtype=jnp.float32)
    d["mlp2_be"] = jnp.zeros((32,), dtype=jnp.float32)
    return d


def _forward(node_feat, edge_feat, W_node_emb, b_node_emb, W_edge_emb, b_edge_emb,
             msg_W1, msg_b1, msg_W2, msg_b2,
             upd_W1, upd_b1, upd_g1, upd_be1, upd_W2, upd_b2, upd_g2, upd_be2,
             pool_W, pool_b, pool_g, pool_be,
             mlp1_W, mlp1_b, mlp1_g, mlp1_be, mlp2_W, mlp2_b, mlp2_g, mlp2_be,
             edge_index):
    x = node_feat @ W_node_emb + b_node_emb
    ea = edge_feat @ W_edge_emb + b_edge_emb
    src = edge_index[0]
    dst = edge_index[1]
    for l in range(NC):
        h_j = x[src]
        h_i = x[dst]
        m = jnp.concatenate([h_i, h_j, ea], axis=-1)
        m = _lrelu(m @ msg_W1[l] + msg_b1[l])
        m = _lrelu(m @ msg_W2[l] + msg_b2[l])
        aggr = jax.ops.segment_sum(m, dst, num_segments=N)
        u = jnp.concatenate([x, aggr], axis=-1)
        u = u @ upd_W1[l] + upd_b1[l]
        u = _lrelu(_bn(u, upd_g1[l], upd_be1[l], (0, 2), 1))
        u = u @ upd_W2[l] + upd_b2[l]
        u = _lrelu(_bn(u, upd_g2[l], upd_be2[l], (0, 2), 1))
        x = x + u
    p = jnp.concatenate([x[:, i, :] for i in range(5)], axis=-1)
    p = jax.nn.relu(_bn(p @ pool_W + pool_b, pool_g, pool_be, (0,), 1))
    p = jax.nn.relu(_bn(p @ mlp1_W + mlp1_b, mlp1_g, mlp1_be, (0,), 1))
    p = jax.nn.relu(_bn(p @ mlp2_W + mlp2_b, mlp2_g, mlp2_be, (0,), 1))
    return jnp.mean(p, axis=-1, keepdims=True)


def reference(node_feat, edge_feat, edge_index, W_node_emb, b_node_emb, W_edge_emb, b_edge_emb,
              msg_W1, msg_b1, msg_W2, msg_b2,
              upd_W1, upd_b1, upd_g1, upd_be1, upd_W2, upd_b2, upd_g2, upd_be2,
              pool_W, pool_b, pool_g, pool_be,
              mlp1_W, mlp1_b, mlp1_g, mlp1_be, mlp2_W, mlp2_b, mlp2_g, mlp2_be):
    return _forward(node_feat, edge_feat, W_node_emb, b_node_emb, W_edge_emb, b_edge_emb,
                    msg_W1, msg_b1, msg_W2, msg_b2,
                    upd_W1, upd_b1, upd_g1, upd_be1, upd_W2, upd_b2, upd_g2, upd_be2,
                    pool_W, pool_b, pool_g, pool_be,
                    mlp1_W, mlp1_b, mlp1_g, mlp1_be, mlp2_W, mlp2_b, mlp2_g, mlp2_be,
                    edge_index)

if __name__ == "__main__":
    import jax
    _d = setup_inputs()
    print(jax.jit(kernel)(*tuple(_d.values())))

</pallas_src>

<mosaic_0001>
module attributes {stable_mosaic.version = 14 : i64} {
  func.func @_mean_kernel(%arg0: i32, %arg1: memref<2000x32xf32, #tpu.memory_space<vmem>>, %arg2: memref<2000x1xf32, #tpu.memory_space<vmem>>) attributes {dimension_semantics = [#tpu.dimension_semantics<arbitrary>], iteration_bounds = array<i64: 25>, scalar_prefetch = 0 : i64, scratch_operands = 0 : i64, tpu.core_type = #tpu.core_type<tc>, window_params = [{transform_indices = @transform_0, window_bounds = array<i64: 2000, 32>}, {transform_indices = @transform_1, window_bounds = array<i64: 2000, 1>}]} {
    %get3A = arith.constant 0 : index
    %get3A_0 = arith.constant 0 : index
    %get3A_1 = vector.load %arg1[%get3A, %get3A_0] : memref<2000x32xf32, #tpu.memory_space<vmem>>, vector<2000x32xf32>
    %reduce_sum3A = arith.constant dense<0.000000e+00> : vector<2000xf32>
    %reduce_sum3A_2 = vector.multi_reduction <add>, %get3A_1, %reduce_sum3A [1] : vector<2000x32xf32> to vector<2000xf32>
    %broadcast_in_dim3A = vector.shape_cast %reduce_sum3A_2 : vector<2000xf32> to vector<2000x1xf32>
    %div3A = arith.constant 3.200000e+01 : f32
    %div3A_3 = vector.broadcast %div3A : f32 to vector<2000x1xf32>
    %div3A_4 = arith.divf %broadcast_in_dim3A, %div3A_3 : vector<2000x1xf32>
    %swap3A = arith.constant 0 : index
    %swap3A_5 = arith.constant 0 : index
    %swap3A_6 = vector.load %arg2[%swap3A, %swap3A_5] : memref<2000x1xf32, #tpu.memory_space<vmem>>, vector<2000x1xf32>
    tpu.vector_store %arg2[%swap3A, %swap3A_5], %div3A_4 {strides = array<i32>} : memref<2000x1xf32, #tpu.memory_space<vmem>>, vector<2000x1xf32>,
    return
  }
  func.func @transform_0(%arg0: i32) -> (i32, i32) {
    %c0_i32 = arith.constant 0 : i32
    %c0_i32_0 = arith.constant 0 : i32
    return %arg0, %c0_i32 : i32, i32
  }
  func.func @transform_1(%arg0: i32) -> (i32, i32) {
    %c0_i32 = arith.constant 0 : i32
    %c0_i32_0 = arith.constant 0 : i32
    return %arg0, %c0_i32 : i32, i32
  }
}

</mosaic_0001>

<sc_bundles>
// kernel: sparse-core-data-format-call.1.cloned.1.call-start
scs
called_computation.1_lowered:
.L_overlay_start_0:
0x0: {  	s1 =	sld [smem:$0x3FD9]  }
0x1: {  	s2 =	sld [smem:$0x3FFE];
	_ =	sdelay $0x1  }
0x2: {  	s3 =	srdreg.scid  }
0x3: {  	s0 =	sand.u32 $0x1, s3  }
0x4: {  	s17 =	sshll.u32 s0, $0xA;
	s1 =	sadd.s32 s2, s1  }
0x5: {  	s1 =	sadd.s32 s1, s17  }
0x6: {  	[smem:$0x3FA9] =	sst s1  }
0x7: {  	_ = 	snop  }
0x8: {  	(tm) =	ssettm $0x1  }
0x9: {  	s18 =	sld [smem:$0x3FFB];
	_ =	sdelay $0x3  }
0xa: {  	_ =	strace s18  }
0xb: {  	s1 =	sld [smem:$0x3FFC];
	_ =	sdelay $0x3  }
0xc: {  	_ =	strace s1  }
0xd: {  	s1 =	sld [smem:$0x3FFD];
	_ =	sdelay $0x3  }
0xe: {  	_ =	strace s1  }
0xf: {  	_ =	strace $0x8FFFFFFF  }
0x10: {  	s19 =	sld [smem:$0x3FDB];
	_ =	sdelay $0x1  }
0x11: {  	s20 =	simm.s32 $_scs_section_size  }
0x12: {  	s4 =	simm.s32 $_size__tile_overlayer_lowered;
	s5 =	simm.s32 $_tile_overlayer_lowered  }
0x13: {  	s23 =	simm.s32 $0x1BFF;
	s22 =	sshll.u32 s5, $0x1;
	s1 =	sadd.s32 s20, s19  }
0x14: {  	s6 =	simm.s32 $0x0;
	s21 =	sshll.u32 s4, $0x1;
	s4 =	sadd.s32 s22, s1  }
0x15: {  	[timem:s6], [sflag:s23] =	dma.local [hbm:s4], s21  }
0x16: {  	_ =	swait.ge [sflag:s23], s21  }
0x17: {  	s2 =	ssub.s32 $0x0, s21;
	[sflag:s23] =	ssyncset.done $0x0  }
0x18: {  	[sflag:s23] =	ssyncadd.s32 s2;
	_ =	sdelay $0x1  }
0x19: {  	s24 =	simm.s32 $0x1B8B  }
0x1a: {  	_ =	swait.ge [sflag:s24], $0x1  }
0x1b: {  	[sflag:s24] =	ssyncset.done $0x0  }
0x1c: {  	s26 =	simm.s32 $0x1B8E;
	s25 =	sld [smem:$0x3FFE];
	[sflag:s24] =	ssyncadd.s32 $0xFFFFFFFF  }
0x1d: {  	s27 =	simm.s32 $execute0_lowered;
	[smem:$0x3FD2] =	sst s26  }
0x1e: {  	s4 =	sshll.u32 s27, $0x1;
	_ =	strace $0x8000004F;
	[dreg:$0x1] =	wrdreg $0xFFFFFFFF  }
0x1f: {  	s28 =	simm.s32 $_size_execute0_lowered;
	s1 =	sadd.s32 s1, s4;
	[dreg:$0x0] =	wrdreg $0x0  }
0x20: {  	s4 =	sshll.u32 s28, $0x1;
	[dreg:$0x2] =	wrdreg s1  }
0x21: {  	[dreg:$0x3] =	wrdreg s4  }
0x22: {  	[dreg:$0x4] =	wrdreg $0xC0  }
0x23: {  	_ =	task [dreg:s6], $0x5FFFF  }
0x24: {  	[dreg:$0x1] =	wrdreg $0xFFFFFFFF  }
0x25: {  	[dreg:$0x0] =	wrdreg $0x60  }
0x26: {  	[dreg:$0x2] =	wrdreg s25  }
0x27: {  	[dreg:$0x3] =	wrdreg $0x9  }
0x28: {  	_ =	task.clear_ibuf [dreg:s6], $0x4FFFF;
	_ =	strace $0x9000004F  }
0x29: {  	s29 =	simm.s32 $0x9;
	_ =	strace $0x80000051  }
0x2a: {  	_ =	swait.ge [sflag:s29], $0x1  }
0x2b: {  	[sflag:s29] =	ssyncadd.s32 $0xFFFFFFFF  }
0x2c: {  	_ =	strace $0x90000051  }
0x2d: {  	_ =	sfence  }
0x2e: {  	s30 =	sld [smem:$0x0];
	_ =	sdelay $0x2  }
0x2f: {  	s31 =	sshll.u32 s3, $0xD;
	s3 =	sshrl.u32 s3, $0x2  }
0x30: {  	s2 =	sand.u32 $0x4000, s31;
	s1 =	sadd.s32 s3, s30  }
0x31: {  	s0 =	sor.u32 s2, s0;
	s1 =	sshll.u32 s1, $0x11  }
0x32: {  	s0 =	sor.u32 s1, s0  }
0x33: {  	s0 =	sadd.s32 $0x8F2B, s0  }
0x34: {  	[sflag:s0] =	ssyncadd.remote.s32 $0x1  }
0x35: {  	_ =	sfence.sel $0xFFFF  }
0x36: {  	[dreg:$0x0] =	wrdreg $0xFFFFFFFF;
	(pc) =	sbr.abs _section_cstart, $3  }
0x37: {  	[dreg:$0x1] =	wrdreg $0xFFFFFFFF  }
0x38: {  	_ =	task.clear_ibuf [dreg:s6], $0x2FFFF;
	_ =	strace $0x9FFFFFFF  }
0x39: {  	(tm) =	ssettm $0x7FFFFFFF  }
tec
execute0_lowered:
.L_overlay_start_1:
0x0: {  	(tag) =	ssettag $0x1  }
0x1: {  	s0 =	srdreg.scid  }
0x2: {  	s1 =	sshll.u32 s0, $0x4  }
0x3: {  	s0 =	stileid.u32;
	s1 =	sand.u32 $0x10, s1  }
0x4: {  	s6 =	rddreg [dreg:$0x0];
	s4 =	simm.s32 $0x1;
	s1 =	sor.u32 s0, s1  }
0x5: {  	s7 =	simm.s32 $0x2;
	s15 =	simm.s32 $0x0;
	s2 =	sshll.u32 s1, $0x7  }
0x6: {  	s8 =	simm.s32 $0x30D400;
	s14 =	simm.s32 $0x0;
	s3 =	ssub.s32 $0xC3500, s2  }
0x7: {  	s9 =	simm.s32 $0x0;
	s10 =	simm.s32 $0x0;
	s31 =	sand.u32 $0xF80, s3  }
0x8: {  	s11 =	simm.s32 $0x0;
	s1 =	rddreg [dreg:$0x1];
	p0 =	sne.s32 s31, $0x0  }
.Ltmp0:
0x9: {  	s5 =	sshrl.u32 s3, $0xC;
	s4 =	simm.s32 @!p0 $0x0;
	(pc) =	sbr.rel .LBB1_1-.Ltmp0, $4  }
0xa: {  	_ =	strace $0x80000050;
	s3 =	simm.s32 $0x1;
	s4 =	sadd.s32 s4, s5  }
0xb: {  	s13 =	simm.s32 $0x0;
	[sflag:s3] =	ssyncpa.u1 $0x0;
	s4 =	smul.u32 $0x3, s4  }
0xc: {  	s12 =	smov.u32 s2;
	[sflag:s7] =	ssyncpa.u1 $0x0;
	p0 =	por $0x0, $0x0  }
0xd: {  	s5 =	sadd.s32 $0x6F9400, s6;
	s6 =	sadd.s32 $0x37CD400, s6;
	s7 =	sadd.s32 $0x1, s4  }
.LBB1_4:
0xe: {  	s18 =	sshll.u32 s10, $0x3;
	s19 =	sshll.u32 s10, $0x1;
	p1 =	sgt.s32 s9, $0x3  }
0xf: {  	s21 =	smov.u32 s9;
	s22 =	sshra.s32 s9, $0x1F;
	s23 =	sshra.s32 s10, $0x1F  }
0x10: {  	s31 =	smul.u32 $0xC3500, s9;
	s18 =	sand.u32 $0xFFFFFC00, s18;
	s19 =	sand.u32 $0xFE, s19  }
0x11: {  	s21 =	simm.s32 @!p1 $0x3;
	s22 =	sand.u32 s22, s9;
	p1 =	sgt.s32 s10, $0xC3480  }
0x12: {  	s23 =	sand.u32 s23, s10;
	s20 =	sshrl.u32 s18, $0x8;
	s21 =	ssub.s32 s21, s22  }
0x13: {  	s22 =	smov.u32 s10;
	s20 =	smulhi.u32 $0x14F8B59, s20;
	s21 =	sadd.s32 $0xFFFFFFFD, s21  }
0x14: {  	s22 =	simm.s32 @!p1 $0xC3480;
	p1 =	sgt.s32 s21, $0x1;
	s21 =	sshll.u32 s21, $0x4  }
0x15: {  	s22 =	ssub.s32 s22, s23;
	s20 =	sshrl.u32 s20, $0x4;
	s21 =	ssub.s32 $0x20, s21  }
0x16: {  	s23 =	sadd.s32 $0xFFF3CB80, s22;
	s22 =	ssub.s32 $0xC3500, s22;
	s24 =	smul.u32 $0xC3500, s20  }
0x17: {  	v1 =	vperm.xlane.i2c.b16 v1;
	s20 =	sand.u32 $0xF, s20;
	s21 =	simm.s32 @p1 $0x0;
	p1 =	sgt.s32 s23, $0x7F  }
0x18: {  	s18 =	sor.u32 s19, s18;
	s22 =	simm.s32 @p1 $0x0;
	s25 =	smul.u32 $0xC350, s20  }
0x19: {  	v2 =	vcombine.low v1, v1;
	s27 =	sadd.s32 s6, s31;
	s18 =	ssub.s32 s18, s24;
	s26 =	smul.u32 s22, s21  }
0x1a: {  	[tilespmem:s17+$0x408 ss:$0x81] =	vst.msk $0xff, v0;
	s28 =	sadd.s32 $0x1, s17;
	v63 =	vcombine.high v1, v1;
	s19 =	sadd.s32 s25, s27;
	s29 =	sshll.u32 s18, $0x11  }
0x1b: {  	[tilespmem:s28+$0x0 ss:$0x81] =	vst.msk $0xff, v2;
	s18 =	sshrl.u32 s18, $0x4;
	s20 =	sshrl.u32 s26, $0x1;
	s21 =	sand.u32 $0x1C0000, s29  }
0x1c: {  	[tilespmem:s28+$0x408 ss:$0x81] =	vst.msk $0xff, v63;
	s18 =	sadd.s32 s18, s19;
	s30 =	sand.u32 $0x3FFFFFF8, s20;
	s31 =	sor.u32 $0x200, s21  }
0x1d: {  	[hbm4b:s18+s31] =	stream.strided.scatter [tilespmem:s16], [sflag:$0x2], s30, s8, s31, $0x20;
	[tilespmem:$0x2020] =	vst v63  }
.LBB1_5:
0x1e: {  	p1 =	slt.u32 s13, $0x2  }
0x1f: {  	p2 =	sgt.s32 @!p1 s15, $0x3  }
0x20: {  	s16 =	smov.u32 s15;
	s17 =	sshra.s32 @!p1 s15, $0x1F;
	p2 =	por !p2, p1  }
0x21: {  	s18 =	sshra.s32 @!p1 s14, $0x1F;
	s16 =	simm.s32 @p2 $0x3;
	p2 =	sgt.s32 @!p1 s14, $0xC3480  }
0x22: {  	s15 =	sand.u32 @!p1 s17, s15;
	s17 =	smov.u32 s14;
	p2 =	por !p2, p1  }
0x23: {  	s14 =	sand.u32 @!p1 s18, s14;
	s15 =	ssub.s32 @!p1 s16, s15;
	s17 =	simm.s32 @p2 $0xC3480  }
0x24: {  	s15 =	sadd.s32 @!p1 $0xFFFFFFFD, s15;
	s14 =	ssub.s32 @!p1 s17, s14  }
0x25: {  	s18 =	smov.u32 s12;
	s16 =	sshll.u32 @!p1 s15, $0x4;
	s17 =	sadd.s32 @!p1 $0xFFF3CB80, s14  }
0x26: {  	p2 =	sgt.s32 @!p1 s15, $0x1;
	s15 =	ssub.s32 @!p1 $0x20, s16;
	p3 =	sgt.s32 @!p1 s17, $0x7F  }
0x27: {  	p2 =	por !p2, p1;
	s14 =	ssub.s32 @!p1 $0xC3500, s14;
	p3 =	por !p3, p1  }
0x28: {  	s16 =	sadd.s32 $0x2, s11;
	s15 =	simm.s32 @!p2 $0x0;
	s14 =	simm.s32 @!p3 $0x0  }
0x29: {  	p2 =	sgt.s32 s16, $0x4;
	s14 =	smul.u32 @!p1 s14, s15;
	s15 =	sadd.s32 $0x1000, s12  }
0x2a: {  	s18 =	smov.u32 @p2 s15  }
0x2b: {  	s16 =	simm.s32 @p2 $0x0;
	p2 =	sgt.s32 s18, $0xC34FF  }
0x2c: {  	p0 =	por !p0, !p0;
	s18 =	smov.u32 @p2 s2;
	p2 =	sne.s32 s13, s7  }
.Ltmp1:
0x2d: {  	s17 =	simm.s32 @!p1 $0x2;
	s14 =	sshrl.u32 @!p1 s14, $0x1;
	(pc) =	sbr.rel @!p2 .LBB1_6-.Ltmp1, $4  }
0x2e: {  	s15 =	smov.u32 s9;
	s9 =	smov.u32 s11;
	s14 =	sand.u32 @!p1 $0x3FFFFFF8, s14  }
0x2f: {  	s11 =	smov.u32 s16;
	s13 =	sadd.s32 $0x1, s13;
	_ =	swait.ge @!p1 [sflag:s17], s14  }
0x30: {  	s19 =	ssub.s32 @!p1 $0x0, s14;
	s14 =	smov.u32 s10;
	[sflag:s17] =	ssyncset.done @!p1 $0x0  }
0x31: {  	s10 =	smov.u32 s12;
	s12 =	smov.u32 s18;
	[sflag:s17] =	ssyncadd.s32 @!p1 s19  }
.LBB1_1:
0x32: {  	p1 =	sge.u32 s13, s4  }
0x33: {  	s16 =	sshll.u32 @!p1 s12, $0x6;
	s17 =	sshll.u32 @!p1 s11, $0x3  }
0x34: {  	s18 =	sxor.u32 @!p1 $0xFFFFFFFF, s13;
	s17 =	sand.u32 @!p1 $0x30, s17;
	s16 =	sadd.s32 @!p1 s5, s16  }
0x35: {  	s31 =	sadd.s32 $0xFFFFFFFF, s13;
	s16 =	sadd.s32 @!p1 s17, s16;
	s17 =	sshll.u32 @!p1 s18, $0xB  }
0x36: {  	s19 =	simm.s32 @!p1 $0x200;
	s18 =	simm.s32 @!p1 $0x10;
	s17 =	sand.u32 @!p1 $0x800, s17  }
0x37: {  	[tilespmem:s17], [sflag:$0x1] =	stream.strided.gather @!p1 [hbm4b:s16+s18], $0x800, s19, s18, $0x38;
	[tilespmem:$0x2020] =	vst v63  }
0x38: {  	p1 =	sge.u32 s31, s4  }
.Ltmp2:
0x39: {  	_ = 	snop;
	(pc) =	sbr.rel @p1 .LBB1_5-.Ltmp2, $1  }
0x3a: {  	_ =	sdelay $0x3  }
0x3b: {  	s16 =	simm.s32 $0x1  }
0x3c: {  	s16 =	simm.s32 @!p0 $0x0  }
0x3d: {  	s17 =	sshll.u32 s16, $0xB  }
0x3e: {  	v2 =	vmov s17;
	_ =	sdelay $0x1  }
0x3f: {  	_ =	swait.ge [sflag:s3], $0x800  }
0x40: {  	[sflag:s3] =	ssyncset.done $0x0  }
0x41: {  	s28 =	simm.s32 $0x0;
	[sflag:s3] =	ssyncadd.s32 $0xFFFFF800  }
0x42: {  	v0 =	vld.idx.msk [tilespmem:v2+s28+$0x0 ss:$0x1], $0xffff;
	_ =	sdelay $0x4  }
0x43: {  	s29 =	sand.u32 $0x1, s13;
	s31 =	simm.s32 $0x10;
	s16 =	smul.u32 $0x2040, s16;
	v0 =	vperm.xlane.i2c.b16 v0  }
0x44: {  	s18 =	smul.u32 $0x2040, s29;
	v1 =	vld.idx.msk [tilespmem:v2+s31+$0x0 ss:$0x1], $0xffff  }
0x45: {  	s16 =	sshrl.u32 s16, $0x2;
	v3 =	vcombine.low v0, v0  }
0x46: {  	s30 =	sshrl.u32 s18, $0x2;
	s17 =	sor.u32 $0x1000, s16;
	v0 =	vcombine.high v0, v0  }
0x47: {  	s18 =	simm.s32 $0x80;
	s16 =	sor.u32 $0x1000, s30;
	[tilespmem:s17+$0x0 ss:$0x81] =	vst.msk $0xff, v3  }
.LBB1_3:
0x48: {  	s19 =	sshra.s32 s18, $0x2;
	[tilespmem:s17+$0x408 ss:$0x81] =	vst.msk $0xff, v0;
	p1 =	sne.s32 s18, $0x1FC0  }
.Ltmp3:
0x49: {  	s18 =	sadd.s32 $0x40, s18;
	v0 =	vperm.xlane.i2c.b16 v1;
	v1 =	vld.idx.msk [tilespmem:v2+s19+$0x0 ss:$0x1], $0xffff;
	(pc) =	sbr.rel @p1 .LBB1_3-.Ltmp3, $4  }
0x4a: {  	_ = 	snop  }
0x4b: {  	v3 =	vcombine.low v0, v0  }
0x4c: {  	s17 =	sadd.s32 $0x1, s17;
	v0 =	vcombine.high v0, v0  }
0x4d: {  	[tilespmem:s17+$0x0 ss:$0x81] =	vst.msk $0xff, v3  }
.Ltmp4:
0x4e: {  	_ = 	snop;
	(pc) =	sbr.rel .LBB1_4-.Ltmp4, $1  }
0x4f: {  	_ =	sdelay $0x3  }
.LBB1_6:
0x50: {  	_ =	sfence.sel $0x180000  }
0x51: {  	s2 =	simm.s32 $0x1;
	[bflag:$0x0] =	sbarrier.arrive $0xFFFF  }
0x52: {  	s31 =	simm.s32 $0x2;
	[sflag:s2] =	ssyncpa.u1 $0x1  }
0x53: {  	[sflag:s31] =	ssyncpa.u1 $0x1  }
0x54: {  	p0 =	sne.s32 s0, $0x0;
	_ =	strace $0x90000050  }
0x55: {  	s0 =	sadd.s32 @!p0 $0x100000, s1;
	[bflag:$0x2] =	sbarrier.arrive $0xFFFF  }
0x56: {  	[sflag:s0] =	ssyncadd.tile.s32 @!p0 $0x1;
	_ =	shalt  }
.Lfunc_end1:
_tile_overlayer_lowered:
.L_overlay_start_2:
0x57: {  	(tag) =	ssettag $0x2  }
0x58: {  	s0 =	rddreg [dreg:$0x0];
	s2 =	stileid.u32  }
0x59: {  	s1 =	rddreg [dreg:$0x1];
	p0 =	sne.s32 s2, $0x0  }
0x5a: {  	s3 =	rddreg [dreg:$0x2];
	[bflag:$0x3] =	sbarrier.arrive $0xFFFF;
	s2 =	simm.s32 @!p0 $0x1C01  }
0x5b: {  	[timem:s3], [sflag:s2] =	dma.local @!p0 [hbm:s0], s1  }
0x5c: {  	s0 =	simm.s32 @!p0 $0x1  }
0x5d: {  	_ =	swait.ge @!p0 [sflag:s0], s1  }
0x5e: {  	s1 =	ssub.s32 @!p0 $0x0, s1;
	[sflag:s0] =	ssyncset.done @!p0 $0x0  }
0x5f: {  	[sflag:s0] =	ssyncadd.s32 @!p0 s1  }
0x60: {  	[bflag:$0x3] =	sbarrier.arrive $0xFFFF  }
0x61: {  	_ =	shalt  }

// kernel: sparse-core-data-format-call.2.cloned.1.call-start
scs
called_computation.2_lowered:
.L_overlay_start_0:
0x0: {  	s2 =	sld [smem:$0x3FD9]  }
0x1: {  	s3 =	sld [smem:$0x3FFE];
	_ =	sdelay $0x1  }
0x2: {  	s1 =	srdreg.scid  }
0x3: {  	s0 =	sand.u32 $0x1, s1  }
0x4: {  	s18 =	sshll.u32 s0, $0xA;
	s2 =	sadd.s32 s3, s2  }
0x5: {  	s2 =	sadd.s32 s2, s18  }
0x6: {  	[smem:$0x3FA9] =	sst s2  }
0x7: {  	_ = 	snop  }
0x8: {  	(tm) =	ssettm $0x1  }
0x9: {  	s19 =	sld [smem:$0x3FFB];
	_ =	sdelay $0x3  }
0xa: {  	_ =	strace s19  }
0xb: {  	s2 =	sld [smem:$0x3FFC];
	_ =	sdelay $0x3  }
0xc: {  	_ =	strace s2  }
0xd: {  	s2 =	sld [smem:$0x3FFD];
	_ =	sdelay $0x3  }
0xe: {  	_ =	strace s2  }
0xf: {  	_ =	strace $0x8FFFFFFF  }
0x10: {  	s20 =	sld [smem:$0x3FDB];
	_ =	sdelay $0x1  }
0x11: {  	s21 =	simm.s32 $_scs_section_size  }
0x12: {  	s4 =	simm.s32 $_size__tile_overlayer_lowered;
	s5 =	simm.s32 $_tile_overlayer_lowered  }
0x13: {  	s6 =	simm.s32 $0x1BFF;
	s22 =	sshll.u32 s5, $0x1;
	s3 =	sadd.s32 s21, s20  }
0x14: {  	s23 =	simm.s32 $0x0;
	s4 =	sshll.u32 s4, $0x1;
	s5 =	sadd.s32 s22, s3  }
0x15: {  	[timem:s23], [sflag:s6] =	dma.local [hbm:s5], s4  }
0x16: {  	_ =	swait.ge [sflag:s6], s4  }
0x17: {  	s4 =	ssub.s32 $0x0, s4;
	[sflag:s6] =	ssyncset.done $0x0  }
0x18: {  	[sflag:s6] =	ssyncadd.s32 s4;
	_ =	sdelay $0x1  }
0x19: {  	s24 =	simm.s32 $0x1B8B  }
0x1a: {  	_ =	swait.ge [sflag:s24], $0x1  }
0x1b: {  	[sflag:s24] =	ssyncset.done $0x0  }
0x1c: {  	[sflag:s24] =	ssyncadd.s32 $0xFFFFFFFF  }
0x1d: {  	s4 =	sld [smem:$0x0]  }
0x1e: {  	s5 =	sand.u32 $0xFFFFFFFE, s1  }
0x1f: {  	p0 =	sne.s32 s1, s5  }
0x20: {  	s5 =	sshll.u32 @p0 s5, $0xE  }
0x21: {  	s5 =	sadd.s32 @p0 $0x11B8D, s5;
	s6 =	sshll.u32 @p0 s4, $0x11  }
0x22: {  	s5 =	sor.u32 @p0 s6, s5  }
0x23: {  	[sflag:s5] =	ssyncadd.remote.s32 @p0 $0x1;
	_ =	sdelay $0x1  }
0x24: {  	s5 =	simm.s32 @p0 $0x1B8D  }
0x25: {  	_ =	swait.eq @p0 [sflag:s5], $0x1  }
0x26: {  	[sflag:s5] =	ssyncadd.s32 @p0 $0xFFFFFFFF  }
0x27: {  	s6 =	sshll.u32 @!p0 s1, $0xE  }
0x28: {  	s6 =	sor.u32 @!p0 $0x4000, s6;
	s5 =	simm.s32 @!p0 $0x1B8D  }
0x29: {  	s4 =	sshll.u32 @!p0 s4, $0x11;
	s6 =	sadd.s32 @!p0 $0x11B8D, s6;
	_ =	swait.eq @!p0 [sflag:s5], $0x1  }
0x2a: {  	s4 =	sor.u32 @!p0 s4, s6;
	[sflag:s5] =	ssyncadd.s32 @!p0 $0xFFFFFFFF  }
0x2b: {  	s26 =	simm.s32 $0x1B8E;
	s25 =	sld [smem:$0x3FFE];
	[sflag:s4] =	ssyncadd.remote.s32 @!p0 $0x1  }
0x2c: {  	s27 =	simm.s32 $execute0_lowered;
	[smem:$0x3FD2] =	sst s26  }
0x2d: {  	s5 =	sshll.u32 s27, $0x1;
	_ =	strace $0x80000052;
	[dreg:$0x1] =	wrdreg $0xFFFFFFFF  }
0x2e: {  	s28 =	simm.s32 $_size_execute0_lowered;
	s3 =	sadd.s32 s3, s5;
	[dreg:$0x0] =	wrdreg $0x0  }
0x2f: {  	s5 =	sshll.u32 s28, $0x1;
	[dreg:$0x2] =	wrdreg s3  }
0x30: {  	[dreg:$0x3] =	wrdreg s5  }
0x31: {  	[dreg:$0x4] =	wrdreg $0xC0  }
0x32: {  	_ =	task [dreg:s23], $0x5FFFF  }
0x33: {  	[dreg:$0x1] =	wrdreg $0xFFFFFFFF  }
0x34: {  	[dreg:$0x0] =	wrdreg $0x60  }
0x35: {  	[dreg:$0x2] =	wrdreg s25  }
0x36: {  	[dreg:$0x3] =	wrdreg $0xA  }
0x37: {  	_ =	task.clear_ibuf [dreg:s23], $0x4FFFF;
	_ =	strace $0x90000052  }
0x38: {  	s29 =	simm.s32 $0xA;
	_ =	strace $0x80000054  }
0x39: {  	_ =	swait.ge [sflag:s29], $0x1  }
0x3a: {  	[sflag:s29] =	ssyncadd.s32 $0xFFFFFFFF  }
0x3b: {  	_ =	strace $0x90000054  }
0x3c: {  	_ =	sfence  }
0x3d: {  	s30 =	sld [smem:$0x0];
	_ =	sdelay $0x2  }
0x3e: {  	s31 =	sshll.u32 s1, $0xD;
	s1 =	sshrl.u32 s1, $0x2  }
0x3f: {  	s4 =	sand.u32 $0x4000, s31;
	s1 =	sadd.s32 s1, s30  }
0x40: {  	s0 =	sor.u32 s4, s0;
	s1 =	sshll.u32 s1, $0x11  }
0x41: {  	s0 =	sor.u32 s1, s0  }
0x42: {  	s0 =	sadd.s32 $0x8F2B, s0  }
0x43: {  	[sflag:s0] =	ssyncadd.remote.s32 $0x1  }
0x44: {  	_ =	sfence.sel $0xFFFF  }
0x45: {  	[dreg:$0x0] =	wrdreg $0xFFFFFFFF;
	(pc) =	sbr.abs _section_cstart, $3  }
0x46: {  	[dreg:$0x1] =	wrdreg $0xFFFFFFFF  }
0x47: {  	_ =	task.clear_ibuf [dreg:s23], $0x2FFFF;
	_ =	strace $0x9FFFFFFF  }
0x48: {  	(tm) =	ssettm $0x7FFFFFFF  }
0x49: {  	_ =	shalt  }
tec
execute0_lowered:
.L_overlay_start_1:
0x0: {  	(tag) =	ssettag $0x1  }
0x1: {  	s0 =	srdreg.scid  }
0x2: {  	s1 =	sshll.u32 s0, $0x4  }
0x3: {  	s0 =	stileid.u32;
	s1 =	sand.u32 $0x10, s1  }
0x4: {  	s6 =	rddreg [dreg:$0x0];
	s4 =	simm.s32 $0x1;
	s1 =	sor.u32 s0, s1  }
0x5: {  	s7 =	simm.s32 $0x2;
	s15 =	simm.s32 $0x0;
	s2 =	sshll.u32 s1, $0x7  }
0x6: {  	s8 =	simm.s32 $0x30D400;
	s14 =	simm.s32 $0x0;
	s3 =	ssub.s32 $0xC3500, s2  }
0x7: {  	s9 =	simm.s32 $0x0;
	s10 =	simm.s32 $0x0;
	s31 =	sand.u32 $0xF80, s3  }
0x8: {  	s11 =	simm.s32 $0x0;
	s1 =	rddreg [dreg:$0x1];
	p0 =	sne.s32 s31, $0x0  }
.Ltmp0:
0x9: {  	s5 =	sshrl.u32 s3, $0xC;
	s4 =	simm.s32 @!p0 $0x0;
	(pc) =	sbr.rel .LBB1_1-.Ltmp0, $4  }
0xa: {  	_ =	strace $0x80000053;
	s3 =	simm.s32 $0x1;
	s4 =	sadd.s32 s4, s5  }
0xb: {  	s13 =	simm.s32 $0x0;
	[sflag:s3] =	ssyncpa.u1 $0x0;
	s4 =	smul.u32 $0x3, s4  }
0xc: {  	s12 =	smov.u32 s2;
	[sflag:s7] =	ssyncpa.u1 $0x0;
	p0 =	por $0x0, $0x0  }
0xd: {  	s5 =	sadd.s32 $0x3B9DE00, s6;
	s6 =	sadd.s32 $0x1A2000, s6;
	s7 =	sadd.s32 $0x1, s4  }
.LBB1_4:
0xe: {  	s18 =	sshll.u32 s10, $0x3;
	s19 =	sshll.u32 s10, $0x1;
	p1 =	sgt.s32 s9, $0x3  }
0xf: {  	s21 =	smov.u32 s9;
	s22 =	sshra.s32 s9, $0x1F;
	s23 =	sshra.s32 s10, $0x1F  }
0x10: {  	s31 =	smul.u32 $0xC3500, s9;
	s18 =	sand.u32 $0xFFFFFC00, s18;
	s19 =	sand.u32 $0xFE, s19  }
0x11: {  	s21 =	simm.s32 @!p1 $0x3;
	s22 =	sand.u32 s22, s9;
	p1 =	sgt.s32 s10, $0xC3480  }
0x12: {  	s23 =	sand.u32 s23, s10;
	s20 =	sshrl.u32 s18, $0x8;
	s21 =	ssub.s32 s21, s22  }
0x13: {  	s22 =	smov.u32 s10;
	s20 =	smulhi.u32 $0x14F8B59, s20;
	s21 =	sadd.s32 $0xFFFFFFFD, s21  }
0x14: {  	s22 =	simm.s32 @!p1 $0xC3480;
	p1 =	sgt.s32 s21, $0x1;
	s21 =	sshll.u32 s21, $0x4  }
0x15: {  	s22 =	ssub.s32 s22, s23;
	s20 =	sshrl.u32 s20, $0x4;
	s21 =	ssub.s32 $0x20, s21  }
0x16: {  	s23 =	sadd.s32 $0xFFF3CB80, s22;
	s22 =	ssub.s32 $0xC3500, s22;
	s24 =	smul.u32 $0xC3500, s20  }
0x17: {  	v1 =	vperm.xlane.i2c.b16 v1;
	s20 =	sand.u32 $0xF, s20;
	s21 =	simm.s32 @p1 $0x0;
	p1 =	sgt.s32 s23, $0x7F  }
0x18: {  	s18 =	sor.u32 s19, s18;
	s22 =	simm.s32 @p1 $0x0;
	s25 =	smul.u32 $0xC350, s20  }
0x19: {  	v2 =	vcombine.low v1, v1;
	s27 =	sadd.s32 s6, s31;
	s18 =	ssub.s32 s18, s24;
	s26 =	smul.u32 s22, s21  }
0x1a: {  	[tilespmem:s17+$0x408 ss:$0x81] =	vst.msk $0xff, v0;
	s28 =	sadd.s32 $0x1, s17;
	v63 =	vcombine.high v1, v1;
	s19 =	sadd.s32 s25, s27;
	s29 =	sshll.u32 s18, $0x11  }
0x1b: {  	[tilespmem:s28+$0x0 ss:$0x81] =	vst.msk $0xff, v2;
	s18 =	sshrl.u32 s18, $0x4;
	s20 =	sshrl.u32 s26, $0x1;
	s21 =	sand.u32 $0x1C0000, s29  }
0x1c: {  	[tilespmem:s28+$0x408 ss:$0x81] =	vst.msk $0xff, v63;
	s18 =	sadd.s32 s18, s19;
	s30 =	sand.u32 $0x3FFFFFF8, s20;
	s31 =	sor.u32 $0x200, s21  }
0x1d: {  	[hbm4b:s18+s31] =	stream.strided.scatter [tilespmem:s16], [sflag:$0x2], s30, s8, s31, $0x20;
	[tilespmem:$0x2020] =	vst v63  }
.LBB1_5:
0x1e: {  	p1 =	slt.u32 s13, $0x2  }
0x1f: {  	p2 =	sgt.s32 @!p1 s15, $0x3  }
0x20: {  	s16 =	smov.u32 s15;
	s17 =	sshra.s32 @!p1 s15, $0x1F;
	p2 =	por !p2, p1  }
0x21: {  	s18 =	sshra.s32 @!p1 s14, $0x1F;
	s16 =	simm.s32 @p2 $0x3;
	p2 =	sgt.s32 @!p1 s14, $0xC3480  }
0x22: {  	s15 =	sand.u32 @!p1 s17, s15;
	s17 =	smov.u32 s14;
	p2 =	por !p2, p1  }
0x23: {  	s14 =	sand.u32 @!p1 s18, s14;
	s15 =	ssub.s32 @!p1 s16, s15;
	s17 =	simm.s32 @p2 $0xC3480  }
0x24: {  	s15 =	sadd.s32 @!p1 $0xFFFFFFFD, s15;
	s14 =	ssub.s32 @!p1 s17, s14  }
0x25: {  	s18 =	smov.u32 s12;
	s16 =	sshll.u32 @!p1 s15, $0x4;
	s17 =	sadd.s32 @!p1 $0xFFF3CB80, s14  }
0x26: {  	p2 =	sgt.s32 @!p1 s15, $0x1;
	s15 =	ssub.s32 @!p1 $0x20, s16;
	p3 =	sgt.s32 @!p1 s17, $0x7F  }
0x27: {  	p2 =	por !p2, p1;
	s14 =	ssub.s32 @!p1 $0xC3500, s14;
	p3 =	por !p3, p1  }
0x28: {  	s16 =	sadd.s32 $0x2, s11;
	s15 =	simm.s32 @!p2 $0x0;
	s14 =	simm.s32 @!p3 $0x0  }
0x29: {  	p2 =	sgt.s32 s16, $0x4;
	s14 =	smul.u32 @!p1 s14, s15;
	s15 =	sadd.s32 $0x1000, s12  }
0x2a: {  	s18 =	smov.u32 @p2 s15  }
0x2b: {  	s16 =	simm.s32 @p2 $0x0;
	p2 =	sgt.s32 s18, $0xC34FF  }
0x2c: {  	p0 =	por !p0, !p0;
	s18 =	smov.u32 @p2 s2;
	p2 =	sne.s32 s13, s7  }
.Ltmp1:
0x2d: {  	s17 =	simm.s32 @!p1 $0x2;
	s14 =	sshrl.u32 @!p1 s14, $0x1;
	(pc) =	sbr.rel @!p2 .LBB1_6-.Ltmp1, $4  }
0x2e: {  	s15 =	smov.u32 s9;
	s9 =	smov.u32 s11;
	s14 =	sand.u32 @!p1 $0x3FFFFFF8, s14  }
0x2f: {  	s11 =	smov.u32 s16;
	s13 =	sadd.s32 $0x1, s13;
	_ =	swait.ge @!p1 [sflag:s17], s14  }
0x30: {  	s19 =	ssub.s32 @!p1 $0x0, s14;
	s14 =	smov.u32 s10;
	[sflag:s17] =	ssyncset.done @!p1 $0x0  }
0x31: {  	s10 =	smov.u32 s12;
	s12 =	smov.u32 s18;
	[sflag:s17] =	ssyncadd.s32 @!p1 s19  }
.LBB1_1:
0x32: {  	p1 =	sge.u32 s13, s4  }
0x33: {  	s16 =	sshll.u32 @!p1 s12, $0x6;
	s17 =	sshll.u32 @!p1 s11, $0x3  }
0x34: {  	s18 =	sxor.u32 @!p1 $0xFFFFFFFF, s13;
	s17 =	sand.u32 @!p1 $0x30, s17;
	s16 =	sadd.s32 @!p1 s5, s16  }
0x35: {  	s31 =	sadd.s32 $0xFFFFFFFF, s13;
	s16 =	sadd.s32 @!p1 s17, s16;
	s17 =	sshll.u32 @!p1 s18, $0xB  }
0x36: {  	s19 =	simm.s32 @!p1 $0x200;
	s18 =	simm.s32 @!p1 $0x10;
	s17 =	sand.u32 @!p1 $0x800, s17  }
0x37: {  	[tilespmem:s17], [sflag:$0x1] =	stream.strided.gather @!p1 [hbm4b:s16+s18], $0x800, s19, s18, $0x38;
	[tilespmem:$0x2020] =	vst v63  }
0x38: {  	p1 =	sge.u32 s31, s4  }
.Ltmp2:
0x39: {  	_ = 	snop;
	(pc) =	sbr.rel @p1 .LBB1_5-.Ltmp2, $1  }
0x3a: {  	_ =	sdelay $0x3  }
0x3b: {  	s16 =	simm.s32 $0x1  }
0x3c: {  	s16 =	simm.s32 @!p0 $0x0  }
0x3d: {  	s17 =	sshll.u32 s16, $0xB  }
0x3e: {  	v2 =	vmov s17;
	_ =	sdelay $0x1  }
0x3f: {  	_ =	swait.ge [sflag:s3], $0x800  }
0x40: {  	[sflag:s3] =	ssyncset.done $0x0  }
0x41: {  	s28 =	simm.s32 $0x0;
	[sflag:s3] =	ssyncadd.s32 $0xFFFFF800  }
0x42: {  	v0 =	vld.idx.msk [tilespmem:v2+s28+$0x0 ss:$0x1], $0xffff;
	_ =	sdelay $0x4  }
0x43: {  	s29 =	sand.u32 $0x1, s13;
	s31 =	simm.s32 $0x10;
	s16 =	smul.u32 $0x2040, s16;
	v0 =	vperm.xlane.i2c.b16 v0  }
0x44: {  	s18 =	smul.u32 $0x2040, s29;
	v1 =	vld.idx.msk [tilespmem:v2+s31+$0x0 ss:$0x1], $0xffff  }
0x45: {  	s16 =	sshrl.u32 s16, $0x2;
	v3 =	vcombine.low v0, v0  }
0x46: {  	s30 =	sshrl.u32 s18, $0x2;
	s17 =	sor.u32 $0x1000, s16;
	v0 =	vcombine.high v0, v0  }
0x47: {  	s18 =	simm.s32 $0x80;
	s16 =	sor.u32 $0x1000, s30;
	[tilespmem:s17+$0x0 ss:$0x81] =	vst.msk $0xff, v3  }
.LBB1_3:
0x48: {  	s19 =	sshra.s32 s18, $0x2;
	[tilespmem:s17+$0x408 ss:$0x81] =	vst.msk $0xff, v0;
	p1 =	sne.s32 s18, $0x1FC0  }
.Ltmp3:
0x49: {  	s18 =	sadd.s32 $0x40, s18;
	v0 =	vperm.xlane.i2c.b16 v1;
	v1 =	vld.idx.msk [tilespmem:v2+s19+$0x0 ss:$0x1], $0xffff;
	(pc) =	sbr.rel @p1 .LBB1_3-.Ltmp3, $4  }
0x4a: {  	_ = 	snop  }
0x4b: {  	v3 =	vcombine.low v0, v0  }
0x4c: {  	s17 =	sadd.s32 $0x1, s17;
	v0 =	vcombine.high v0, v0  }
0x4d: {  	[tilespmem:s17+$0x0 ss:$0x81] =	vst.msk $0xff, v3  }
.Ltmp4:
0x4e: {  	_ = 	snop;
	(pc) =	sbr.rel .LBB1_4-.Ltmp4, $1  }
0x4f: {  	_ =	sdelay $0x3  }
.LBB1_6:
0x50: {  	_ =	sfence.sel $0x180000  }
0x51: {  	s2 =	simm.s32 $0x1;
	[bflag:$0x0] =	sbarrier.arrive $0xFFFF  }
0x52: {  	s31 =	simm.s32 $0x2;
	[sflag:s2] =	ssyncpa.u1 $0x1  }
0x53: {  	[sflag:s31] =	ssyncpa.u1 $0x1  }
0x54: {  	p0 =	sne.s32 s0, $0x0;
	_ =	strace $0x90000053  }
0x55: {  	s0 =	sadd.s32 @!p0 $0x100000, s1;
	[bflag:$0x2] =	sbarrier.arrive $0xFFFF  }
0x56: {  	[sflag:s0] =	ssyncadd.tile.s32 @!p0 $0x1;
	_ =	shalt  }
.Lfunc_end1:
_tile_overlayer_lowered:
.L_overlay_start_2:
0x57: {  	(tag) =	ssettag $0x2  }
0x58: {  	s0 =	rddreg [dreg:$0x0];
	s2 =	stileid.u32  }
0x59: {  	s1 =	rddreg [dreg:$0x1];
	p0 =	sne.s32 s2, $0x0  }
0x5a: {  	s3 =	rddreg [dreg:$0x2];
	[bflag:$0x3] =	sbarrier.arrive $0xFFFF;
	s2 =	simm.s32 @!p0 $0x1C01  }
0x5b: {  	[timem:s3], [sflag:s2] =	dma.local @!p0 [hbm:s0], s1  }
0x5c: {  	s0 =	simm.s32 @!p0 $0x1  }
0x5d: {  	_ =	swait.ge @!p0 [sflag:s0], s1  }
0x5e: {  	s1 =	ssub.s32 @!p0 $0x0, s1;
	[sflag:s0] =	ssyncset.done @!p0 $0x0  }
0x5f: {  	[sflag:s0] =	ssyncadd.s32 @!p0 s1  }
0x60: {  	[bflag:$0x3] =	sbarrier.arrive $0xFFFF  }
0x61: {  	_ =	shalt  }

// kernel: sparse-core-data-format-call.3.cloned.1.call-start
scs
called_computation.3_lowered:
.L_overlay_start_0:
0x0: {  	s1 =	sld [smem:$0x3FD9]  }
0x1: {  	s2 =	sld [smem:$0x3FFE];
	_ =	sdelay $0x1  }
0x2: {  	s3 =	srdreg.scid  }
0x3: {  	s0 =	sand.u32 $0x1, s3  }
0x4: {  	s17 =	sshll.u32 s0, $0xA;
	s1 =	sadd.s32 s2, s1  }
0x5: {  	s1 =	sadd.s32 s1, s17  }
0x6: {  	[smem:$0x3FA9] =	sst s1  }
0x7: {  	_ = 	snop  }
0x8: {  	(tm) =	ssettm $0x1  }
0x9: {  	s18 =	sld [smem:$0x3FFB];
	_ =	sdelay $0x3  }
0xa: {  	_ =	strace s18  }
0xb: {  	s1 =	sld [smem:$0x3FFC];
	_ =	sdelay $0x3  }
0xc: {  	_ =	strace s1  }
0xd: {  	s1 =	sld [smem:$0x3FFD];
	_ =	sdelay $0x3  }
0xe: {  	_ =	strace s1  }
0xf: {  	_ =	strace $0x8FFFFFFF  }
0x10: {  	s19 =	sld [smem:$0x3FDB];
	_ =	sdelay $0x1  }
0x11: {  	s20 =	simm.s32 $_scs_section_size  }
0x12: {  	s4 =	simm.s32 $_size__tile_overlayer_lowered;
	s5 =	simm.s32 $_tile_overlayer_lowered  }
0x13: {  	s23 =	simm.s32 $0x1BFF;
	s22 =	sshll.u32 s5, $0x1;
	s1 =	sadd.s32 s20, s19  }
0x14: {  	s6 =	simm.s32 $0x0;
	s21 =	sshll.u32 s4, $0x1;
	s4 =	sadd.s32 s22, s1  }
0x15: {  	[timem:s6], [sflag:s23] =	dma.local [hbm:s4], s21  }
0x16: {  	_ =	swait.ge [sflag:s23], s21  }
0x17: {  	s2 =	ssub.s32 $0x0, s21;
	[sflag:s23] =	ssyncset.done $0x0  }
0x18: {  	[sflag:s23] =	ssyncadd.s32 s2;
	_ =	sdelay $0x1  }
0x19: {  	s24 =	simm.s32 $0x1B8B  }
0x1a: {  	_ =	swait.ge [sflag:s24], $0x1  }
0x1b: {  	[sflag:s24] =	ssyncset.done $0x0  }
0x1c: {  	s26 =	simm.s32 $0x1B8E;
	s25 =	sld [smem:$0x3FFE];
	[sflag:s24] =	ssyncadd.s32 $0xFFFFFFFF  }
0x1d: {  	s27 =	simm.s32 $execute0_lowered;
	[smem:$0x3FD2] =	sst s26  }
0x1e: {  	s4 =	sshll.u32 s27, $0x1;
	_ =	strace $0x8000004C;
	[dreg:$0x1] =	wrdreg $0xFFFFFFFF  }
0x1f: {  	s28 =	simm.s32 $_size_execute0_lowered;
	s1 =	sadd.s32 s1, s4;
	[dreg:$0x0] =	wrdreg $0x0  }
0x20: {  	s4 =	sshll.u32 s28, $0x1;
	[dreg:$0x2] =	wrdreg s1  }
0x21: {  	[dreg:$0x3] =	wrdreg s4  }
0x22: {  	[dreg:$0x4] =	wrdreg $0xC0  }
0x23: {  	_ =	task [dreg:s6], $0x5FFFF  }
0x24: {  	[dreg:$0x1] =	wrdreg $0xFFFFFFFF  }
0x25: {  	[dreg:$0x0] =	wrdreg $0x60  }
0x26: {  	[dreg:$0x2] =	wrdreg s25  }
0x27: {  	[dreg:$0x3] =	wrdreg $0x9  }
0x28: {  	_ =	task.clear_ibuf [dreg:s6], $0x4FFFF;
	_ =	strace $0x9000004C  }
0x29: {  	s29 =	simm.s32 $0x9;
	_ =	strace $0x8000004E  }
0x2a: {  	_ =	swait.ge [sflag:s29], $0x1  }
0x2b: {  	[sflag:s29] =	ssyncadd.s32 $0xFFFFFFFF  }
0x2c: {  	_ =	strace $0x9000004E  }
0x2d: {  	_ =	sfence  }
0x2e: {  	s30 =	sld [smem:$0x0];
	_ =	sdelay $0x2  }
0x2f: {  	s31 =	sshll.u32 s3, $0xD;
	s3 =	sshrl.u32 s3, $0x2  }
0x30: {  	s2 =	sand.u32 $0x4000, s31;
	s1 =	sadd.s32 s3, s30  }
0x31: {  	s0 =	sor.u32 s2, s0;
	s1 =	sshll.u32 s1, $0x11  }
0x32: {  	s0 =	sor.u32 s1, s0  }
0x33: {  	s0 =	sadd.s32 $0x8F2B, s0  }
0x34: {  	[sflag:s0] =	ssyncadd.remote.s32 $0x1  }
0x35: {  	_ =	sfence.sel $0xFFFF  }
0x36: {  	[dreg:$0x0] =	wrdreg $0xFFFFFFFF;
	(pc) =	sbr.abs _section_cstart, $3  }
0x37: {  	[dreg:$0x1] =	wrdreg $0xFFFFFFFF  }
0x38: {  	_ =	task.clear_ibuf [dreg:s6], $0x2FFFF;
	_ =	strace $0x9FFFFFFF  }
0x39: {  	(tm) =	ssettm $0x7FFFFFFF  }
tec
execute0_lowered:
.L_overlay_start_1:
0x0: {  	(tag) =	ssettag $0x1  }
0x1: {  	s0 =	srdreg.scid  }
0x2: {  	s1 =	sshll.u32 s0, $0x4  }
0x3: {  	s0 =	stileid.u32;
	s1 =	sand.u32 $0x10, s1  }
0x4: {  	s6 =	rddreg [dreg:$0x0];
	s4 =	simm.s32 $0x1;
	s1 =	sor.u32 s0, s1  }
0x5: {  	s7 =	simm.s32 $0x2;
	s14 =	simm.s32 $0x0;
	s2 =	sshll.u32 s1, $0x8  }
0x6: {  	s8 =	simm.s32 $0x400;
	s13 =	simm.s32 $0x0;
	s3 =	ssub.s32 $0xC3500, s2  }
0x7: {  	s15 =	simm.s32 $0x0;
	s10 =	simm.s32 $0x0;
	s31 =	sand.u32 $0x1F00, s3  }
0x8: {  	s11 =	simm.s32 $0x0;
	s1 =	rddreg [dreg:$0x1];
	p0 =	sne.s32 s31, $0x0  }
.Ltmp0:
0x9: {  	s5 =	sshrl.u32 s3, $0xD;
	s4 =	simm.s32 @!p0 $0x0;
	(pc) =	sbr.rel .LBB1_1-.Ltmp0, $4  }
0xa: {  	_ =	strace $0x8000004D;
	s3 =	simm.s32 $0x1;
	s4 =	sadd.s32 s4, s5  }
0xb: {  	s12 =	simm.s32 $0x0;
	[sflag:s3] =	ssyncpa.u1 $0x0;
	s4 =	smul.u32 $0x5, s4  }
0xc: {  	s9 =	smov.u32 s2;
	[sflag:s7] =	ssyncpa.u1 $0x0;
	p0 =	por $0x0, $0x0  }
0xd: {  	s5 =	sadd.s32 $0xB8D200, s6;
	s6 =	sadd.s32 $0x132E400, s6;
	s7 =	sadd.s32 $0x1, s4  }
.LBB1_4:
0xe: {  	_ = 	snop  }
0xf: {  	[tilespmem:s20+$0x660 ss:$0x11] =	vst.msk $0xffff, v8  }
0x10: {  	[tilespmem:s20+$0x770 ss:$0x11] =	vst.msk $0xffff, v7  }
0x11: {  	[tilespmem:s20+$0x990 ss:$0x11] =	vst.msk $0xffff, v1  }
0x12: {  	s23 =	sor.u32 s26, s25;
	v47 =	vld.idx.msk [tilespmem:v0+s18+$0x470 ss:$0x1], $0xffff;
	[tilespmem:s20+$0xAA0 ss:$0x11] =	vst.msk $0xffff, v2  }
0x13: {  	[tilespmem:s20+$0xBB0 ss:$0x11] =	vst.msk $0xffff, v3;
	v57 =	vld.idx.msk [tilespmem:v0+s23+$0x410 ss:$0x1], $0xffff  }
0x14: {  	[tilespmem:s20+$0xCC0 ss:$0x11] =	vst.msk $0xffff, v4;
	v58 =	vld.idx.msk [tilespmem:v0+s23+$0x420 ss:$0x1], $0xffff  }
0x15: {  	[tilespmem:s20+$0xDD0 ss:$0x11] =	vst.msk $0xffff, v5;
	v59 =	vld.idx.msk [tilespmem:v0+s23+$0x430 ss:$0x1], $0xffff  }
0x16: {  	s29 =	sshra.s32 s21, $0x2;
	[tilespmem:s20+$0xEE0 ss:$0x11] =	vst.msk $0xffff, v6;
	v60 =	vld.idx.msk [tilespmem:v0+s23+$0x440 ss:$0x1], $0xffff  }
0x17: {  	s24 =	sand.u32 $0xB00, s23;
	s18 =	sadd.s32 s29, s19;
	v61 =	vld.idx.msk [tilespmem:v0+s23+$0x450 ss:$0x1], $0xffff;
	[tilespmem:s20+$0xFF0 ss:$0x11] =	vst.msk $0xffff, v47  }
0x18: {  	s22 =	sand.u32 $0x80, s22;
	v62 =	vld.idx.msk [tilespmem:v0+s23+$0x460 ss:$0x1], $0xffff;
	s17 =	sadd.s32 s24, s17;
	[tilespmem:s18+$0x990 ss:$0x11] =	vst.msk $0xffff, v57  }
0x19: {  	v63 =	vld.idx.msk [tilespmem:v0+s23+$0x470 ss:$0x1], $0xffff;
	s17 =	sadd.s32 s22, s17;
	[tilespmem:s18+$0xAA0 ss:$0x11] =	vst.msk $0xffff, v58  }
0x1a: {  	v48 =	vld [tilespmem:s17+$0x400];
	[tilespmem:s18+$0xBB0 ss:$0x11] =	vst.msk $0xffff, v59  }
0x1b: {  	v49 =	vld [tilespmem:s17+$0x0];
	[tilespmem:s18+$0xCC0 ss:$0x11] =	vst.msk $0xffff, v60  }
0x1c: {  	v50 =	vld [tilespmem:s17+$0x10];
	[tilespmem:s18+$0xDD0 ss:$0x11] =	vst.msk $0xffff, v61  }
0x1d: {  	v51 =	vld [tilespmem:s17+$0x20];
	[tilespmem:s18+$0xEE0 ss:$0x11] =	vst.msk $0xffff, v62  }
0x1e: {  	v52 =	vld [tilespmem:s17+$0x30];
	[tilespmem:s18+$0xFF0 ss:$0x11] =	vst.msk $0xffff, v63  }
0x1f: {  	v53 =	vld [tilespmem:s17+$0x40];
	[tilespmem:s18+$0x880 ss:$0x11] =	vst.msk $0xffff, v48  }
0x20: {  	v54 =	vld [tilespmem:s17+$0x50];
	[tilespmem:s18+$0x0 ss:$0x11] =	vst.msk $0xffff, v49  }
0x21: {  	v55 =	vld [tilespmem:s17+$0x60];
	[tilespmem:s18+$0x110 ss:$0x11] =	vst.msk $0xffff, v50  }
0x22: {  	v56 =	vld [tilespmem:s17+$0x70];
	[tilespmem:s18+$0x220 ss:$0x11] =	vst.msk $0xffff, v51  }
0x23: {  	s15 =	sshll.u32 s15, $0x4;
	[tilespmem:s18+$0x330 ss:$0x11] =	vst.msk $0xffff, v52  }
0x24: {  	s14 =	sshll.u32 s14, $0x7;
	s15 =	sand.u32 $0x70, s15;
	[tilespmem:s18+$0x440 ss:$0x11] =	vst.msk $0xffff, v53  }
0x25: {  	s30 =	sshrl.u32 s13, $0x3;
	s31 =	sand.u32 $0x7, s13;
	s15 =	sadd.s32 s6, s15;
	[tilespmem:s18+$0x550 ss:$0x11] =	vst.msk $0xffff, v54  }
0x26: {  	s13 =	sshll.u32 s31, $0x12;
	s14 =	sadd.s32 s14, s15;
	s17 =	sand.u32 $0xF, s30;
	[tilespmem:s18+$0x660 ss:$0x11] =	vst.msk $0xffff, v55  }
0x27: {  	s13 =	sor.u32 $0x10, s13;
	s14 =	sadd.s32 s17, s14;
	[tilespmem:s18+$0x770 ss:$0x11] =	vst.msk $0xffff, v56  }
0x28: {  	[hbm4b:s14+s13] =	stream.strided.scatter [tilespmem:s16], [sflag:$0x2], $0x1000, s8, s13, $0x8;
	[tilespmem:$0x4200] =	vst v63  }
.LBB1_5:
0x29: {  	s16 =	sadd.s32 $0x2000, s9  }
0x2a: {  	s13 =	sadd.s32 $0x10, s10;
	s17 =	smov.u32 s10;
	p2 =	sgt.s32 s16, $0xC34FF  }
0x2b: {  	s17 =	smov.u32 @p2 s13  }
0x2c: {  	s13 =	simm.s32 $0x1;
	p3 =	sgt.s32 s17, $0xF  }
0x2d: {  	s13 =	simm.s32 @!p3 $0x0  }
0x2e: {  	s19 =	sadd.s32 s13, s11  }
0x2f: {  	s16 =	smov.u32 @p2 s2;
	p2 =	sgt.s32 s19, $0x4  }
0x30: {  	p1 =	slt.u32 s12, $0x2;
	s19 =	simm.s32 @p2 $0x0;
	p2 =	sne.s32 s12, s7  }
.Ltmp1:
0x31: {  	s18 =	simm.s32 @!p1 $0x2;
	(pc) =	sbr.rel @!p2 .LBB1_6-.Ltmp1, $4  }
0x32: {  	s14 =	smov.u32 s9;
	s15 =	smov.u32 s11;
	_ =	swait.ge @!p1 [sflag:s18], $0x1000  }
0x33: {  	p0 =	por !p0, !p0;
	[sflag:s18] =	ssyncset.done @!p1 $0x0;
	s9 =	smov.u32 s16  }
0x34: {  	s17 =	simm.s32 @p3 $0x0;
	[sflag:s18] =	ssyncadd.s32 @!p1 $0xFFFFF000;
	s13 =	smov.u32 s10  }
0x35: {  	s10 =	smov.u32 s17;
	s12 =	sadd.s32 $0x1, s12;
	s11 =	smov.u32 s19  }
.LBB1_1:
0x36: {  	p1 =	sge.u32 s12, s4  }
0x37: {  	s16 =	sshrl.u32 @!p1 s10, $0x3  }
0x38: {  	s17 =	sshll.u32 @!p1 s9, $0x3;
	s16 =	smul.u32 @!p1 $0x61A800, s16  }
0x39: {  	s18 =	sshll.u32 @!p1 s10, $0x7;
	s17 =	sand.u32 @!p1 $0xFFFFFC00, s17  }
0x3a: {  	s16 =	sadd.s32 @!p1 s16, s17;
	s17 =	sand.u32 @!p1 $0x380, s18  }
0x3b: {  	s16 =	sor.u32 @!p1 s17, s16  }
0x3c: {  	s17 =	sshrl.u32 @!p1 s16, $0x8  }
0x3d: {  	s17 =	smulhi.u32 @!p1 $0x14F8B59, s17;
	_ =	sdelay $0x1  }
0x3e: {  	s31 =	sadd.s32 $0xFFFFFFFF, s12;
	s17 =	sshrl.u32 @!p1 s17, $0x4  }
0x3f: {  	s19 =	sand.u32 @!p1 $0x7F, s9;
	s18 =	sxor.u32 @!p1 $0xFFFFFFFF, s12;
	s20 =	smul.u32 @!p1 $0xC3500, s17  }
0x40: {  	s16 =	sor.u32 @!p1 s19, s16;
	s19 =	smul.u32 @!p1 $0x186A00, s11;
	s17 =	sand.u32 @!p1 $0xF, s17  }
0x41: {  	s18 =	sshll.u32 @!p1 s18, $0xC;
	s17 =	smul.u32 @!p1 $0x186A0, s17;
	s16 =	ssub.s32 @!p1 s16, s20  }
0x42: {  	s18 =	sand.u32 @!p1 $0x1000, s18;
	s19 =	sadd.s32 @!p1 s5, s19;
	s20 =	sand.u32 @!p1 $0x7, s16  }
0x43: {  	s16 =	sshrl.u32 @!p1 s16, $0x3;
	s17 =	sadd.s32 @!p1 s17, s19;
	s19 =	sshll.u32 @!p1 s20, $0x12  }
0x44: {  	s16 =	sadd.s32 @!p1 s16, s17;
	s17 =	sor.u32 @!p1 $0x800, s19;
	s19 =	simm.s32 @!p1 $0x61A800  }
0x45: {  	[tilespmem:s18], [sflag:$0x1] =	stream.strided.gather @!p1 [hbm4b:s16+s17], $0x1000, s19, s17, $0x38;
	[tilespmem:$0x4200] =	vst v63  }
0x46: {  	p1 =	sge.u32 s31, s4  }
.Ltmp2:
0x47: {  	_ = 	snop;
	(pc) =	sbr.rel @p1 .LBB1_5-.Ltmp2, $1  }
0x48: {  	_ =	sdelay $0x3  }
0x49: {  	s19 =	simm.s32 $0x0  }
0x4a: {  	s18 =	sand.u32 $0x800, s19;
	s20 =	sand.u32 $0x380, s19  }
0x4b: {  	s16 =	sand.u32 $0x1, s12;
	s18 =	sor.u32 s20, s18  }
0x4c: {  	_ =	swait.ge [sflag:s3], $0x1000;
	s17 =	sshll.u32 s16, $0xC;
	s20 =	sand.u32 $0xB00, s18  }
0x4d: {  	[sflag:s3] =	ssyncset.done $0x0;
	s19 =	sand.u32 $0x80, s19;
	s20 =	sadd.s32 s20, s17  }
0x4e: {  	[sflag:s3] =	ssyncadd.s32 $0xFFFFF000;
	s22 =	sadd.s32 s19, s20  }
0x4f: {  	v4 =	vld [tilespmem:s22+$0x400]  }
0x50: {  	s21 =	simm.s32 $0x1;
	v5 =	vld [tilespmem:s22+$0x0]  }
0x51: {  	s21 =	simm.s32 @!p0 $0x0;
	v6 =	vld [tilespmem:s22+$0x10]  }
0x52: {  	v0 =	vmov s17;
	s31 =	smul.u32 $0x4400, s21;
	v7 =	vld [tilespmem:s22+$0x20]  }
0x53: {  	v9 =	vld [tilespmem:s22+$0x30]  }
0x54: {  	s19 =	sshrl.u32 s31, $0x2;
	v10 =	vld [tilespmem:s22+$0x40]  }
0x55: {  	s19 =	sor.u32 $0x2000, s19;
	v11 =	vld [tilespmem:s22+$0x50]  }
0x56: {  	v8 =	vld [tilespmem:s22+$0x60];
	s20 =	sadd.s32 $0x0, s19  }
0x57: {  	v1 =	vld.idx.msk [tilespmem:v0+s18+$0x410 ss:$0x1], $0xffff;
	[tilespmem:s20+$0x880 ss:$0x11] =	vst.msk $0xffff, v4  }
0x58: {  	v2 =	vld.idx.msk [tilespmem:v0+s18+$0x420 ss:$0x1], $0xffff;
	[tilespmem:s20+$0x0 ss:$0x11] =	vst.msk $0xffff, v5  }
0x59: {  	v3 =	vld.idx.msk [tilespmem:v0+s18+$0x430 ss:$0x1], $0xffff;
	[tilespmem:s20+$0x110 ss:$0x11] =	vst.msk $0xffff, v6  }
0x5a: {  	s16 =	smul.u32 $0x4400, s16;
	[tilespmem:s20+$0x220 ss:$0x11] =	vst.msk $0xffff, v7;
	v7 =	vld [tilespmem:s22+$0x70]  }
0x5b: {  	s23 =	simm.s32 $0x100;
	s24 =	simm.s32 $0x8;
	[tilespmem:s20+$0x330 ss:$0x11] =	vst.msk $0xffff, v9;
	v4 =	vld.idx.msk [tilespmem:v0+s18+$0x440 ss:$0x1], $0xffff  }
0x5c: {  	s25 =	sand.u32 $0x800, s23;
	s16 =	sshrl.u32 s16, $0x2;
	[tilespmem:s20+$0x440 ss:$0x11] =	vst.msk $0xffff, v10;
	v5 =	vld.idx.msk [tilespmem:v0+s18+$0x450 ss:$0x1], $0xffff;
	s22 =	simm.s32 $0x80  }
0x5d: {  	s21 =	simm.s32 $0x4;
	s16 =	sor.u32 $0x2000, s16;
	[tilespmem:s20+$0x550 ss:$0x11] =	vst.msk $0xffff, v11;
	v6 =	vld.idx.msk [tilespmem:v0+s18+$0x460 ss:$0x1], $0xffff;
	s26 =	sand.u32 $0x380, s22  }
.LBB1_3:
0x5e: {  	p1 =	sne.s32 s24, $0x3C;
	[tilespmem:s20+$0x660 ss:$0x11] =	vst.msk $0xffff, v8;
	v8 =	vld.idx.msk [tilespmem:v0+s18+$0x470 ss:$0x1], $0xffff;
	s18 =	sor.u32 s26, s25  }
0x5f: {  	s25 =	sand.u32 $0xB00, s18;
	v9 =	vld.idx.msk [tilespmem:v0+s18+$0x410 ss:$0x1], $0xffff;
	[tilespmem:s20+$0x770 ss:$0x11] =	vst.msk $0xffff, v7  }
0x60: {  	s26 =	sand.u32 $0x80, s22;
	s25 =	sadd.s32 s25, s17;
	v7 =	vld.idx.msk [tilespmem:v0+s18+$0x420 ss:$0x1], $0xffff;
	[tilespmem:s20+$0x990 ss:$0x11] =	vst.msk $0xffff, v1  }
0x61: {  	s25 =	sadd.s32 s26, s25;
	v10 =	vld.idx.msk [tilespmem:v0+s18+$0x430 ss:$0x1], $0xffff;
	[tilespmem:s20+$0xAA0 ss:$0x11] =	vst.msk $0xffff, v2  }
0x62: {  	v11 =	vld [tilespmem:s25+$0x400];
	[tilespmem:s20+$0xBB0 ss:$0x11] =	vst.msk $0xffff, v3  }
0x63: {  	v12 =	vld [tilespmem:s25+$0x0];
	[tilespmem:s20+$0xCC0 ss:$0x11] =	vst.msk $0xffff, v4  }
0x64: {  	v4 =	vld [tilespmem:s25+$0x10];
	[tilespmem:s20+$0xDD0 ss:$0x11] =	vst.msk $0xffff, v5  }
0x65: {  	s26 =	sshra.s32 s21, $0x2;
	s21 =	smov.u32 s24;
	v1 =	vmov v9;
	v5 =	vld [tilespmem:s25+$0x20];
	[tilespmem:s20+$0xEE0 ss:$0x11] =	vst.msk $0xffff, v6  }
0x66: {  	v2 =	vmov v7;
	v6 =	vld [tilespmem:s25+$0x30];
	[tilespmem:s20+$0xFF0 ss:$0x11] =	vst.msk $0xffff, v8;
	s20 =	sadd.s32 s26, s19  }
0x67: {  	v3 =	vmov v10;
	v9 =	vld [tilespmem:s25+$0x40];
	[tilespmem:s20+$0x880 ss:$0x11] =	vst.msk $0xffff, v11  }
0x68: {  	[tilespmem:s20+$0x0 ss:$0x11] =	vst.msk $0xffff, v12;
	v10 =	vld [tilespmem:s25+$0x50]  }
.Ltmp3:
0x69: {  	[tilespmem:s20+$0x110 ss:$0x11] =	vst.msk $0xffff, v4;
	v8 =	vld [tilespmem:s25+$0x60];
	(pc) =	sbr.rel @p1 .LBB1_3-.Ltmp3, $4  }
0x6a: {  	[tilespmem:s20+$0x220 ss:$0x11] =	vst.msk $0xffff, v5;
	v7 =	vld [tilespmem:s25+$0x70]  }
0x6b: {  	[tilespmem:s20+$0x330 ss:$0x11] =	vst.msk $0xffff, v6;
	v4 =	vld.idx.msk [tilespmem:v0+s18+$0x440 ss:$0x1], $0xffff  }
0x6c: {  	s22 =	sadd.s32 $0x80, s22;
	s23 =	sadd.s32 $0x100, s23;
	[tilespmem:s20+$0x440 ss:$0x11] =	vst.msk $0xffff, v9;
	v5 =	vld.idx.msk [tilespmem:v0+s18+$0x450 ss:$0x1], $0xffff  }
0x6d: {  	s24 =	sadd.s32 $0x4, s24;
	s26 =	sand.u32 $0x380, s22;
	s25 =	sand.u32 $0x800, s23;
	[tilespmem:s20+$0x550 ss:$0x11] =	vst.msk $0xffff, v10;
	v6 =	vld.idx.msk [tilespmem:v0+s18+$0x460 ss:$0x1], $0xffff  }
.Ltmp4:
0x6e: {  	_ = 	snop;
	(pc) =	sbr.rel .LBB1_4-.Ltmp4, $1  }
0x6f: {  	_ =	sdelay $0x3  }
.LBB1_6:
0x70: {  	_ =	sfence.sel $0x180000  }
0x71: {  	s2 =	simm.s32 $0x1;
	[bflag:$0x0] =	sbarrier.arrive $0xFFFF  }
0x72: {  	s31 =	simm.s32 $0x2;
	[sflag:s2] =	ssyncpa.u1 $0x1  }
0x73: {  	[sflag:s31] =	ssyncpa.u1 $0x1  }
0x74: {  	p0 =	sne.s32 s0, $0x0;
	_ =	strace $0x9000004D  }
0x75: {  	s0 =	sadd.s32 @!p0 $0x100000, s1;
	[bflag:$0x2] =	sbarrier.arrive $0xFFFF  }
0x76: {  	[sflag:s0] =	ssyncadd.tile.s32 @!p0 $0x1;
	_ =	shalt  }
.Lfunc_end1:
_tile_overlayer_lowered:
.L_overlay_start_2:
0x77: {  	(tag) =	ssettag $0x2  }
0x78: {  	s0 =	rddreg [dreg:$0x0];
	s2 =	stileid.u32  }
0x79: {  	s1 =	rddreg [dreg:$0x1];
	p0 =	sne.s32 s2, $0x0  }
0x7a: {  	s3 =	rddreg [dreg:$0x2];
	[bflag:$0x3] =	sbarrier.arrive $0xFFFF;
	s2 =	simm.s32 @!p0 $0x1C01  }
0x7b: {  	[timem:s3], [sflag:s2] =	dma.local @!p0 [hbm:s0], s1  }
0x7c: {  	s0 =	simm.s32 @!p0 $0x1  }
0x7d: {  	_ =	swait.ge @!p0 [sflag:s0], s1  }
0x7e: {  	s1 =	ssub.s32 @!p0 $0x0, s1;
	[sflag:s0] =	ssyncset.done @!p0 $0x0  }
0x7f: {  	[sflag:s0] =	ssyncadd.s32 @!p0 s1  }
0x80: {  	[bflag:$0x3] =	sbarrier.arrive $0xFFFF  }
0x81: {  	_ =	shalt  }

// kernel: sparse-core-data-format-call.4.cloned.1.call-start
scs
called_computation.4_lowered:
.L_overlay_start_0:
0x0: {  	s1 =	sld [smem:$0x3FD9]  }
0x1: {  	s2 =	sld [smem:$0x3FFE];
	_ =	sdelay $0x1  }
0x2: {  	s3 =	srdreg.scid  }
0x3: {  	s0 =	sand.u32 $0x1, s3  }
0x4: {  	s17 =	sshll.u32 s0, $0xA;
	s1 =	sadd.s32 s2, s1  }
0x5: {  	s1 =	sadd.s32 s1, s17  }
0x6: {  	[smem:$0x3FA9] =	sst s1  }
0x7: {  	_ = 	snop  }
0x8: {  	(tm) =	ssettm $0x1  }
0x9: {  	s18 =	sld [smem:$0x3FFB];
	_ =	sdelay $0x3  }
0xa: {  	_ =	strace s18  }
0xb: {  	s1 =	sld [smem:$0x3FFC];
	_ =	sdelay $0x3  }
0xc: {  	_ =	strace s1  }
0xd: {  	s1 =	sld [smem:$0x3FFD];
	_ =	sdelay $0x3  }
0xe: {  	_ =	strace s1  }
0xf: {  	_ =	strace $0x8FFFFFFF  }
0x10: {  	s19 =	sld [smem:$0x3FDB];
	_ =	sdelay $0x1  }
0x11: {  	s20 =	simm.s32 $_scs_section_size  }
0x12: {  	s4 =	simm.s32 $_size__tile_overlayer_lowered;
	s5 =	simm.s32 $_tile_overlayer_lowered  }
0x13: {  	s23 =	simm.s32 $0x1BFF;
	s22 =	sshll.u32 s5, $0x1;
	s1 =	sadd.s32 s20, s19  }
0x14: {  	s6 =	simm.s32 $0x0;
	s21 =	sshll.u32 s4, $0x1;
	s4 =	sadd.s32 s22, s1  }
0x15: {  	[timem:s6], [sflag:s23] =	dma.local [hbm:s4], s21  }
0x16: {  	_ =	swait.ge [sflag:s23], s21  }
0x17: {  	s2 =	ssub.s32 $0x0, s21;
	[sflag:s23] =	ssyncset.done $0x0  }
0x18: {  	[sflag:s23] =	ssyncadd.s32 s2;
	_ =	sdelay $0x1  }
0x19: {  	s24 =	simm.s32 $0x1B8B  }
0x1a: {  	_ =	swait.ge [sflag:s24], $0x1  }
0x1b: {  	[sflag:s24] =	ssyncset.done $0x0  }
0x1c: {  	s26 =	simm.s32 $0x1B8E;
	s25 =	sld [smem:$0x3FFE];
	[sflag:s24] =	ssyncadd.s32 $0xFFFFFFFF  }
0x1d: {  	s27 =	simm.s32 $execute0_lowered;
	[smem:$0x3FD2] =	sst s26  }
0x1e: {  	s4 =	sshll.u32 s27, $0x1;
	_ =	strace $0x80000046;
	[dreg:$0x1] =	wrdreg $0xFFFFFFFF  }
0x1f: {  	s28 =	simm.s32 $_size_execute0_lowered;
	s1 =	sadd.s32 s1, s4;
	[dreg:$0x0] =	wrdreg $0x0  }
0x20: {  	s4 =	sshll.u32 s28, $0x1;
	[dreg:$0x2] =	wrdreg s1  }
0x21: {  	[dreg:$0x3] =	wrdreg s4  }
0x22: {  	[dreg:$0x4] =	wrdreg $0xC0  }
0x23: {  	_ =	task [dreg:s6], $0x5FFFF  }
0x24: {  	[dreg:$0x1] =	wrdreg $0xFFFFFFFF  }
0x25: {  	[dreg:$0x0] =	wrdreg $0x60  }
0x26: {  	[dreg:$0x2] =	wrdreg s25  }
0x27: {  	[dreg:$0x3] =	wrdreg $0x9  }
0x28: {  	_ =	task.clear_ibuf [dreg:s6], $0x4FFFF;
	_ =	strace $0x90000046  }
0x29: {  	s29 =	simm.s32 $0x9;
	_ =	strace $0x80000048  }
0x2a: {  	_ =	swait.ge [sflag:s29], $0x1  }
0x2b: {  	[sflag:s29] =	ssyncadd.s32 $0xFFFFFFFF  }
0x2c: {  	_ =	strace $0x90000048  }
0x2d: {  	_ =	sfence  }
0x2e: {  	s30 =	sld [smem:$0x0];
	_ =	sdelay $0x2  }
0x2f: {  	s31 =	sshll.u32 s3, $0xD;
	s3 =	sshrl.u32 s3, $0x2  }
0x30: {  	s2 =	sand.u32 $0x4000, s31;
	s1 =	sadd.s32 s3, s30  }
0x31: {  	s0 =	sor.u32 s2, s0;
	s1 =	sshll.u32 s1, $0x11  }
0x32: {  	s0 =	sor.u32 s1, s0  }
0x33: {  	s0 =	sadd.s32 $0x8F2B, s0  }
0x34: {  	[sflag:s0] =	ssyncadd.remote.s32 $0x1  }
0x35: {  	_ =	sfence.sel $0xFFFF  }
0x36: {  	[dreg:$0x0] =	wrdreg $0xFFFFFFFF;
	(pc) =	sbr.abs _section_cstart, $3  }
0x37: {  	[dreg:$0x1] =	wrdreg $0xFFFFFFFF  }
0x38: {  	_ =	task.clear_ibuf [dreg:s6], $0x2FFFF;
	_ =	strace $0x9FFFFFFF  }
0x39: {  	(tm) =	ssettm $0x7FFFFFFF  }
tec
execute0_lowered:
.L_overlay_start_1:
0x0: {  	(tag) =	ssettag $0x1  }
0x1: {  	s0 =	srdreg.scid  }
0x2: {  	s1 =	sshll.u32 s0, $0x4  }
0x3: {  	s0 =	stileid.u32;
	s1 =	sand.u32 $0x10, s1  }
0x4: {  	s6 =	rddreg [dreg:$0x0];
	s4 =	simm.s32 $0x1;
	s1 =	sor.u32 s0, s1  }
0x5: {  	s7 =	simm.s32 $0x2;
	s15 =	simm.s32 $0x0;
	s2 =	sshll.u32 s1, $0x7  }
0x6: {  	s8 =	simm.s32 $0x30D400;
	s14 =	simm.s32 $0x0;
	s3 =	ssub.s32 $0xC3500, s2  }
0x7: {  	s9 =	simm.s32 $0x0;
	s10 =	simm.s32 $0x0;
	s31 =	sand.u32 $0xF80, s3  }
0x8: {  	s11 =	simm.s32 $0x0;
	s1 =	rddreg [dreg:$0x1];
	p0 =	sne.s32 s31, $0x0  }
.Ltmp0:
0x9: {  	s5 =	sshrl.u32 s3, $0xC;
	s4 =	simm.s32 @!p0 $0x0;
	(pc) =	sbr.rel .LBB1_1-.Ltmp0, $4  }
0xa: {  	_ =	strace $0x80000047;
	s3 =	simm.s32 $0x1;
	s4 =	sadd.s32 s4, s5  }
0xb: {  	s13 =	simm.s32 $0x0;
	[sflag:s3] =	ssyncpa.u1 $0x0;
	s4 =	smul.u32 $0x3, s4  }
0xc: {  	s12 =	smov.u32 s2;
	[sflag:s7] =	ssyncpa.u1 $0x0;
	p0 =	por $0x0, $0x0  }
0xd: {  	s5 =	sadd.s32 $0x3EC000, s6;
	s6 =	sadd.s32 $0x34C0000, s6;
	s7 =	sadd.s32 $0x1, s4  }
.LBB1_4:
0xe: {  	s18 =	sshll.u32 s10, $0x3;
	s19 =	sshll.u32 s10, $0x1;
	p1 =	sgt.s32 s9, $0x3  }
0xf: {  	s21 =	smov.u32 s9;
	s22 =	sshra.s32 s9, $0x1F;
	s23 =	sshra.s32 s10, $0x1F  }
0x10: {  	s31 =	smul.u32 $0xC3500, s9;
	s18 =	sand.u32 $0xFFFFFC00, s18;
	s19 =	sand.u32 $0xFE, s19  }
0x11: {  	s21 =	simm.s32 @!p1 $0x3;
	s22 =	sand.u32 s22, s9;
	p1 =	sgt.s32 s10, $0xC3480  }
0x12: {  	s23 =	sand.u32 s23, s10;
	s20 =	sshrl.u32 s18, $0x8;
	s21 =	ssub.s32 s21, s22  }
0x13: {  	s22 =	smov.u32 s10;
	s20 =	smulhi.u32 $0x14F8B59, s20;
	s21 =	sadd.s32 $0xFFFFFFFD, s21  }
0x14: {  	s22 =	simm.s32 @!p1 $0xC3480;
	p1 =	sgt.s32 s21, $0x1;
	s21 =	sshll.u32 s21, $0x4  }
0x15: {  	s22 =	ssub.s32 s22, s23;
	s20 =	sshrl.u32 s20, $0x4;
	s21 =	ssub.s32 $0x20, s21  }
0x16: {  	s23 =	sadd.s32 $0xFFF3CB80, s22;
	s22 =	ssub.s32 $0xC3500, s22;
	s24 =	smul.u32 $0xC3500, s20  }
0x17: {  	v1 =	vperm.xlane.i2c.b16 v1;
	s20 =	sand.u32 $0xF, s20;
	s21 =	simm.s32 @p1 $0x0;
	p1 =	sgt.s32 s23, $0x7F  }
0x18: {  	s18 =	sor.u32 s19, s18;
	s22 =	simm.s32 @p1 $0x0;
	s25 =	smul.u32 $0xC350, s20  }
0x19: {  	v2 =	vcombine.low v1, v1;
	s27 =	sadd.s32 s6, s31;
	s18 =	ssub.s32 s18, s24;
	s26 =	smul.u32 s22, s21  }
0x1a: {  	[tilespmem:s17+$0x408 ss:$0x81] =	vst.msk $0xff, v0;
	s28 =	sadd.s32 $0x1, s17;
	v63 =	vcombine.high v1, v1;
	s19 =	sadd.s32 s25, s27;
	s29 =	sshll.u32 s18, $0x11  }
0x1b: {  	[tilespmem:s28+$0x0 ss:$0x81] =	vst.msk $0xff, v2;
	s18 =	sshrl.u32 s18, $0x4;
	s20 =	sshrl.u32 s26, $0x1;
	s21 =	sand.u32 $0x1C0000, s29  }
0x1c: {  	[tilespmem:s28+$0x408 ss:$0x81] =	vst.msk $0xff, v63;
	s18 =	sadd.s32 s18, s19;
	s30 =	sand.u32 $0x3FFFFFF8, s20;
	s31 =	sor.u32 $0x200, s21  }
0x1d: {  	[hbm4b:s18+s31] =	stream.strided.scatter [tilespmem:s16], [sflag:$0x2], s30, s8, s31, $0x20;
	[tilespmem:$0x2020] =	vst v63  }
.LBB1_5:
0x1e: {  	p1 =	slt.u32 s13, $0x2  }
0x1f: {  	p2 =	sgt.s32 @!p1 s15, $0x3  }
0x20: {  	s16 =	smov.u32 s15;
	s17 =	sshra.s32 @!p1 s15, $0x1F;
	p2 =	por !p2, p1  }
0x21: {  	s18 =	sshra.s32 @!p1 s14, $0x1F;
	s16 =	simm.s32 @p2 $0x3;
	p2 =	sgt.s32 @!p1 s14, $0xC3480  }
0x22: {  	s15 =	sand.u32 @!p1 s17, s15;
	s17 =	smov.u32 s14;
	p2 =	por !p2, p1  }
0x23: {  	s14 =	sand.u32 @!p1 s18, s14;
	s15 =	ssub.s32 @!p1 s16, s15;
	s17 =	simm.s32 @p2 $0xC3480  }
0x24: {  	s15 =	sadd.s32 @!p1 $0xFFFFFFFD, s15;
	s14 =	ssub.s32 @!p1 s17, s14  }
0x25: {  	s18 =	smov.u32 s12;
	s16 =	sshll.u32 @!p1 s15, $0x4;
	s17 =	sadd.s32 @!p1 $0xFFF3CB80, s14  }
0x26: {  	p2 =	sgt.s32 @!p1 s15, $0x1;
	s15 =	ssub.s32 @!p1 $0x20, s16;
	p3 =	sgt.s32 @!p1 s17, $0x7F  }
0x27: {  	p2 =	por !p2, p1;
	s14 =	ssub.s32 @!p1 $0xC3500, s14;
	p3 =	por !p3, p1  }
0x28: {  	s16 =	sadd.s32 $0x2, s11;
	s15 =	simm.s32 @!p2 $0x0;
	s14 =	simm.s32 @!p3 $0x0  }
0x29: {  	p2 =	sgt.s32 s16, $0x4;
	s14 =	smul.u32 @!p1 s14, s15;
	s15 =	sadd.s32 $0x1000, s12  }
0x2a: {  	s18 =	smov.u32 @p2 s15  }
0x2b: {  	s16 =	simm.s32 @p2 $0x0;
	p2 =	sgt.s32 s18, $0xC34FF  }
0x2c: {  	p0 =	por !p0, !p0;
	s18 =	smov.u32 @p2 s2;
	p2 =	sne.s32 s13, s7  }
.Ltmp1:
0x2d: {  	s17 =	simm.s32 @!p1 $0x2;
	s14 =	sshrl.u32 @!p1 s14, $0x1;
	(pc) =	sbr.rel @!p2 .LBB1_6-.Ltmp1, $4  }
0x2e: {  	s15 =	smov.u32 s9;
	s9 =	smov.u32 s11;
	s14 =	sand.u32 @!p1 $0x3FFFFFF8, s14  }
0x2f: {  	s11 =	smov.u32 s16;
	s13 =	sadd.s32 $0x1, s13;
	_ =	swait.ge @!p1 [sflag:s17], s14  }
0x30: {  	s19 =	ssub.s32 @!p1 $0x0, s14;
	s14 =	smov.u32 s10;
	[sflag:s17] =	ssyncset.done @!p1 $0x0  }
0x31: {  	s10 =	smov.u32 s12;
	s12 =	smov.u32 s18;
	[sflag:s17] =	ssyncadd.s32 @!p1 s19  }
.LBB1_1:
0x32: {  	p1 =	sge.u32 s13, s4  }
0x33: {  	s16 =	sshll.u32 @!p1 s12, $0x6;
	s17 =	sshll.u32 @!p1 s11, $0x3  }
0x34: {  	s18 =	sxor.u32 @!p1 $0xFFFFFFFF, s13;
	s17 =	sand.u32 @!p1 $0x30, s17;
	s16 =	sadd.s32 @!p1 s5, s16  }
0x35: {  	s31 =	sadd.s32 $0xFFFFFFFF, s13;
	s16 =	sadd.s32 @!p1 s17, s16;
	s17 =	sshll.u32 @!p1 s18, $0xB  }
0x36: {  	s19 =	simm.s32 @!p1 $0x200;
	s18 =	simm.s32 @!p1 $0x10;
	s17 =	sand.u32 @!p1 $0x800, s17  }
0x37: {  	[tilespmem:s17], [sflag:$0x1] =	stream.strided.gather @!p1 [hbm4b:s16+s18], $0x800, s19, s18, $0x38;
	[tilespmem:$0x2020] =	vst v63  }
0x38: {  	p1 =	sge.u32 s31, s4  }
.Ltmp2:
0x39: {  	_ = 	snop;
	(pc) =	sbr.rel @p1 .LBB1_5-.Ltmp2, $1  }
0x3a: {  	_ =	sdelay $0x3  }
0x3b: {  	s16 =	simm.s32 $0x1  }
0x3c: {  	s16 =	simm.s32 @!p0 $0x0  }
0x3d: {  	s17 =	sshll.u32 s16, $0xB  }
0x3e: {  	v2 =	vmov s17;
	_ =	sdelay $0x1  }
0x3f: {  	_ =	swait.ge [sflag:s3], $0x800  }
0x40: {  	[sflag:s3] =	ssyncset.done $0x0  }
0x41: {  	s28 =	simm.s32 $0x0;
	[sflag:s3] =	ssyncadd.s32 $0xFFFFF800  }
0x42: {  	v0 =	vld.idx.msk [tilespmem:v2+s28+$0x0 ss:$0x1], $0xffff;
	_ =	sdelay $0x4  }
0x43: {  	s29 =	sand.u32 $0x1, s13;
	s31 =	simm.s32 $0x10;
	s16 =	smul.u32 $0x2040, s16;
	v0 =	vperm.xlane.i2c.b16 v0  }
0x44: {  	s18 =	smul.u32 $0x2040, s29;
	v1 =	vld.idx.msk [tilespmem:v2+s31+$0x0 ss:$0x1], $0xffff  }
0x45: {  	s16 =	sshrl.u32 s16, $0x2;
	v3 =	vcombine.low v0, v0  }
0x46: {  	s30 =	sshrl.u32 s18, $0x2;
	s17 =	sor.u32 $0x1000, s16;
	v0 =	vcombine.high v0, v0  }
0x47: {  	s18 =	simm.s32 $0x80;
	s16 =	sor.u32 $0x1000, s30;
	[tilespmem:s17+$0x0 ss:$0x81] =	vst.msk $0xff, v3  }
.LBB1_3:
0x48: {  	s19 =	sshra.s32 s18, $0x2;
	[tilespmem:s17+$0x408 ss:$0x81] =	vst.msk $0xff, v0;
	p1 =	sne.s32 s18, $0x1FC0  }
.Ltmp3:
0x49: {  	s18 =	sadd.s32 $0x40, s18;
	v0 =	vperm.xlane.i2c.b16 v1;
	v1 =	vld.idx.msk [tilespmem:v2+s19+$0x0 ss:$0x1], $0xffff;
	(pc) =	sbr.rel @p1 .LBB1_3-.Ltmp3, $4  }
0x4a: {  	_ = 	snop  }
0x4b: {  	v3 =	vcombine.low v0, v0  }
0x4c: {  	s17 =	sadd.s32 $0x1, s17;
	v0 =	vcombine.high v0, v0  }
0x4d: {  	[tilespmem:s17+$0x0 ss:$0x81] =	vst.msk $0xff, v3  }
.Ltmp4:
0x4e: {  	_ = 	snop;
	(pc) =	sbr.rel .LBB1_4-.Ltmp4, $1  }
0x4f: {  	_ =	sdelay $0x3  }
.LBB1_6:
0x50: {  	_ =	sfence.sel $0x180000  }
0x51: {  	s2 =	simm.s32 $0x1;
	[bflag:$0x0] =	sbarrier.arrive $0xFFFF  }
0x52: {  	s31 =	simm.s32 $0x2;
	[sflag:s2] =	ssyncpa.u1 $0x1  }
0x53: {  	[sflag:s31] =	ssyncpa.u1 $0x1  }
0x54: {  	p0 =	sne.s32 s0, $0x0;
	_ =	strace $0x90000047  }
0x55: {  	s0 =	sadd.s32 @!p0 $0x100000, s1;
	[bflag:$0x2] =	sbarrier.arrive $0xFFFF  }
0x56: {  	[sflag:s0] =	ssyncadd.tile.s32 @!p0 $0x1;
	_ =	shalt  }
.Lfunc_end1:
_tile_overlayer_lowered:
.L_overlay_start_2:
0x57: {  	(tag) =	ssettag $0x2  }
0x58: {  	s0 =	rddreg [dreg:$0x0];
	s2 =	stileid.u32  }
0x59: {  	s1 =	rddreg [dreg:$0x1];
	p0 =	sne.s32 s2, $0x0  }
0x5a: {  	s3 =	rddreg [dreg:$0x2];
	[bflag:$0x3] =	sbarrier.arrive $0xFFFF;
	s2 =	simm.s32 @!p0 $0x1C01  }
0x5b: {  	[timem:s3], [sflag:s2] =	dma.local @!p0 [hbm:s0], s1  }
0x5c: {  	s0 =	simm.s32 @!p0 $0x1  }
0x5d: {  	_ =	swait.ge @!p0 [sflag:s0], s1  }
0x5e: {  	s1 =	ssub.s32 @!p0 $0x0, s1;
	[sflag:s0] =	ssyncset.done @!p0 $0x0  }
0x5f: {  	[sflag:s0] =	ssyncadd.s32 @!p0 s1  }
0x60: {  	[bflag:$0x3] =	sbarrier.arrive $0xFFFF  }
0x61: {  	_ =	shalt  }

// kernel: sparse-core-data-format-call.5.cloned.1.call-start
scs
called_computation.5_lowered:
.L_overlay_start_0:
0x0: {  	s2 =	sld [smem:$0x3FD9]  }
0x1: {  	s3 =	sld [smem:$0x3FFE];
	_ =	sdelay $0x1  }
0x2: {  	s1 =	srdreg.scid  }
0x3: {  	s0 =	sand.u32 $0x1, s1  }
0x4: {  	s18 =	sshll.u32 s0, $0xA;
	s2 =	sadd.s32 s3, s2  }
0x5: {  	s2 =	sadd.s32 s2, s18  }
0x6: {  	[smem:$0x3FA9] =	sst s2  }
0x7: {  	_ = 	snop  }
0x8: {  	(tm) =	ssettm $0x1  }
0x9: {  	s19 =	sld [smem:$0x3FFB];
	_ =	sdelay $0x3  }
0xa: {  	_ =	strace s19  }
0xb: {  	s2 =	sld [smem:$0x3FFC];
	_ =	sdelay $0x3  }
0xc: {  	_ =	strace s2  }
0xd: {  	s2 =	sld [smem:$0x3FFD];
	_ =	sdelay $0x3  }
0xe: {  	_ =	strace s2  }
0xf: {  	_ =	strace $0x8FFFFFFF  }
0x10: {  	s20 =	sld [smem:$0x3FDB];
	_ =	sdelay $0x1  }
0x11: {  	s21 =	simm.s32 $_scs_section_size  }
0x12: {  	s4 =	simm.s32 $_size__tile_overlayer_lowered;
	s5 =	simm.s32 $_tile_overlayer_lowered  }
0x13: {  	s6 =	simm.s32 $0x1BFF;
	s22 =	sshll.u32 s5, $0x1;
	s3 =	sadd.s32 s21, s20  }
0x14: {  	s23 =	simm.s32 $0x0;
	s4 =	sshll.u32 s4, $0x1;
	s5 =	sadd.s32 s22, s3  }
0x15: {  	[timem:s23], [sflag:s6] =	dma.local [hbm:s5], s4  }
0x16: {  	_ =	swait.ge [sflag:s6], s4  }
0x17: {  	s4 =	ssub.s32 $0x0, s4;
	[sflag:s6] =	ssyncset.done $0x0  }
0x18: {  	[sflag:s6] =	ssyncadd.s32 s4;
	_ =	sdelay $0x1  }
0x19: {  	s24 =	simm.s32 $0x1B8B  }
0x1a: {  	_ =	swait.ge [sflag:s24], $0x1  }
0x1b: {  	[sflag:s24] =	ssyncset.done $0x0  }
0x1c: {  	[sflag:s24] =	ssyncadd.s32 $0xFFFFFFFF  }
0x1d: {  	s4 =	sld [smem:$0x0]  }
0x1e: {  	s5 =	sand.u32 $0xFFFFFFFE, s1  }
0x1f: {  	p0 =	sne.s32 s1, s5  }
0x20: {  	s5 =	sshll.u32 @p0 s5, $0xE  }
0x21: {  	s5 =	sadd.s32 @p0 $0x11B8D, s5;
	s6 =	sshll.u32 @p0 s4, $0x11  }
0x22: {  	s5 =	sor.u32 @p0 s6, s5  }
0x23: {  	[sflag:s5] =	ssyncadd.remote.s32 @p0 $0x1;
	_ =	sdelay $0x1  }
0x24: {  	s5 =	simm.s32 @p0 $0x1B8D  }
0x25: {  	_ =	swait.eq @p0 [sflag:s5], $0x1  }
0x26: {  	[sflag:s5] =	ssyncadd.s32 @p0 $0xFFFFFFFF  }
0x27: {  	s6 =	sshll.u32 @!p0 s1, $0xE  }
0x28: {  	s6 =	sor.u32 @!p0 $0x4000, s6;
	s5 =	simm.s32 @!p0 $0x1B8D  }
0x29: {  	s4 =	sshll.u32 @!p0 s4, $0x11;
	s6 =	sadd.s32 @!p0 $0x11B8D, s6;
	_ =	swait.eq @!p0 [sflag:s5], $0x1  }
0x2a: {  	s4 =	sor.u32 @!p0 s4, s6;
	[sflag:s5] =	ssyncadd.s32 @!p0 $0xFFFFFFFF  }
0x2b: {  	s26 =	simm.s32 $0x1B8E;
	s25 =	sld [smem:$0x3FFE];
	[sflag:s4] =	ssyncadd.remote.s32 @!p0 $0x1  }
0x2c: {  	s27 =	simm.s32 $execute0_lowered;
	[smem:$0x3FD2] =	sst s26  }
0x2d: {  	s5 =	sshll.u32 s27, $0x1;
	_ =	strace $0x80000049;
	[dreg:$0x1] =	wrdreg $0xFFFFFFFF  }
0x2e: {  	s28 =	simm.s32 $_size_execute0_lowered;
	s3 =	sadd.s32 s3, s5;
	[dreg:$0x0] =	wrdreg $0x0  }
0x2f: {  	s5 =	sshll.u32 s28, $0x1;
	[dreg:$0x2] =	wrdreg s3  }
0x30: {  	[dreg:$0x3] =	wrdreg s5  }
0x31: {  	[dreg:$0x4] =	wrdreg $0xC0  }
0x32: {  	_ =	task [dreg:s23], $0x5FFFF  }
0x33: {  	[dreg:$0x1] =	wrdreg $0xFFFFFFFF  }
0x34: {  	[dreg:$0x0] =	wrdreg $0x60  }
0x35: {  	[dreg:$0x2] =	wrdreg s25  }
0x36: {  	[dreg:$0x3] =	wrdreg $0xA  }
0x37: {  	_ =	task.clear_ibuf [dreg:s23], $0x4FFFF;
	_ =	strace $0x90000049  }
0x38: {  	s29 =	simm.s32 $0xA;
	_ =	strace $0x8000004B  }
0x39: {  	_ =	swait.ge [sflag:s29], $0x1  }
0x3a: {  	[sflag:s29] =	ssyncadd.s32 $0xFFFFFFFF  }
0x3b: {  	_ =	strace $0x9000004B  }
0x3c: {  	_ =	sfence  }
0x3d: {  	s30 =	sld [smem:$0x0];
	_ =	sdelay $0x2  }
0x3e: {  	s31 =	sshll.u32 s1, $0xD;
	s1 =	sshrl.u32 s1, $0x2  }
0x3f: {  	s4 =	sand.u32 $0x4000, s31;
	s1 =	sadd.s32 s1, s30  }
0x40: {  	s0 =	sor.u32 s4, s0;
	s1 =	sshll.u32 s1, $0x11  }
0x41: {  	s0 =	sor.u32 s1, s0  }
0x42: {  	s0 =	sadd.s32 $0x8F2B, s0  }
0x43: {  	[sflag:s0] =	ssyncadd.remote.s32 $0x1  }
0x44: {  	_ =	sfence.sel $0xFFFF  }
0x45: {  	[dreg:$0x0] =	wrdreg $0xFFFFFFFF;
	(pc) =	sbr.abs _section_cstart, $3  }
0x46: {  	[dreg:$0x1] =	wrdreg $0xFFFFFFFF  }
0x47: {  	_ =	task.clear_ibuf [dreg:s23], $0x2FFFF;
	_ =	strace $0x9FFFFFFF  }
0x48: {  	(tm) =	ssettm $0x7FFFFFFF  }
0x49: {  	_ =	shalt  }
tec
execute0_lowered:
.L_overlay_start_1:
0x0: {  	(tag) =	ssettag $0x1  }
0x1: {  	s0 =	srdreg.scid  }
0x2: {  	s1 =	sshll.u32 s0, $0x4  }
0x3: {  	s0 =	stileid.u32;
	s1 =	sand.u32 $0x10, s1  }
0x4: {  	s6 =	rddreg [dreg:$0x0];
	s4 =	simm.s32 $0x1;
	s1 =	sor.u32 s0, s1  }
0x5: {  	s7 =	simm.s32 $0x2;
	s15 =	simm.s32 $0x0;
	s2 =	sshll.u32 s1, $0x7  }
0x6: {  	s8 =	simm.s32 $0x30D400;
	s14 =	simm.s32 $0x0;
	s3 =	ssub.s32 $0xC3500, s2  }
0x7: {  	s9 =	simm.s32 $0x0;
	s10 =	simm.s32 $0x0;
	s31 =	sand.u32 $0xF80, s3  }
0x8: {  	s11 =	simm.s32 $0x0;
	s1 =	rddreg [dreg:$0x1];
	p0 =	sne.s32 s31, $0x0  }
.Ltmp0:
0x9: {  	s5 =	sshrl.u32 s3, $0xC;
	s4 =	simm.s32 @!p0 $0x0;
	(pc) =	sbr.rel .LBB1_1-.Ltmp0, $4  }
0xa: {  	_ =	strace $0x8000004A;
	s3 =	simm.s32 $0x1;
	s4 =	sadd.s32 s4, s5  }
0xb: {  	s13 =	simm.s32 $0x0;
	[sflag:s3] =	ssyncpa.u1 $0x0;
	s4 =	smul.u32 $0x3, s4  }
0xc: {  	s12 =	smov.u32 s2;
	[sflag:s7] =	ssyncpa.u1 $0x0;
	p0 =	por $0x0, $0x0  }
0xd: {  	s5 =	sadd.s32 $0x3890A00, s6;
	s6 =	sadd.s32 $0x6964A00, s6;
	s7 =	sadd.s32 $0x1, s4  }
.LBB1_4:
0xe: {  	s18 =	sshll.u32 s10, $0x3;
	s19 =	sshll.u32 s10, $0x1;
	p1 =	sgt.s32 s9, $0x3  }
0xf: {  	s21 =	smov.u32 s9;
	s22 =	sshra.s32 s9, $0x1F;
	s23 =	sshra.s32 s10, $0x1F  }
0x10: {  	s31 =	smul.u32 $0xC3500, s9;
	s18 =	sand.u32 $0xFFFFFC00, s18;
	s19 =	sand.u32 $0xFE, s19  }
0x11: {  	s21 =	simm.s32 @!p1 $0x3;
	s22 =	sand.u32 s22, s9;
	p1 =	sgt.s32 s10, $0xC3480  }
0x12: {  	s23 =	sand.u32 s23, s10;
	s20 =	sshrl.u32 s18, $0x8;
	s21 =	ssub.s32 s21, s22  }
0x13: {  	s22 =	smov.u32 s10;
	s20 =	smulhi.u32 $0x14F8B59, s20;
	s21 =	sadd.s32 $0xFFFFFFFD, s21  }
0x14: {  	s22 =	simm.s32 @!p1 $0xC3480;
	p1 =	sgt.s32 s21, $0x1;
	s21 =	sshll.u32 s21, $0x4  }
0x15: {  	s22 =	ssub.s32 s22, s23;
	s20 =	sshrl.u32 s20, $0x4;
	s21 =	ssub.s32 $0x20, s21  }
0x16: {  	s23 =	sadd.s32 $0xFFF3CB80, s22;
	s22 =	ssub.s32 $0xC3500, s22;
	s24 =	smul.u32 $0xC3500, s20  }
0x17: {  	v1 =	vperm.xlane.i2c.b16 v1;
	s20 =	sand.u32 $0xF, s20;
	s21 =	simm.s32 @p1 $0x0;
	p1 =	sgt.s32 s23, $0x7F  }
0x18: {  	s18 =	sor.u32 s19, s18;
	s22 =	simm.s32 @p1 $0x0;
	s25 =	smul.u32 $0xC350, s20  }
0x19: {  	v2 =	vcombine.low v1, v1;
	s27 =	sadd.s32 s6, s31;
	s18 =	ssub.s32 s18, s24;
	s26 =	smul.u32 s22, s21  }
0x1a: {  	[tilespmem:s17+$0x408 ss:$0x81] =	vst.msk $0xff, v0;
	s28 =	sadd.s32 $0x1, s17;
	v63 =	vcombine.high v1, v1;
	s19 =	sadd.s32 s25, s27;
	s29 =	sshll.u32 s18, $0x11  }
0x1b: {  	[tilespmem:s28+$0x0 ss:$0x81] =	vst.msk $0xff, v2;
	s18 =	sshrl.u32 s18, $0x4;
	s20 =	sshrl.u32 s26, $0x1;
	s21 =	sand.u32 $0x1C0000, s29  }
0x1c: {  	[tilespmem:s28+$0x408 ss:$0x81] =	vst.msk $0xff, v63;
	s18 =	sadd.s32 s18, s19;
	s30 =	sand.u32 $0x3FFFFFF8, s20;
	s31 =	sor.u32 $0x200, s21  }
0x1d: {  	[hbm4b:s18+s31] =	stream.strided.scatter [tilespmem:s16], [sflag:$0x2], s30, s8, s31, $0x20;
	[tilespmem:$0x2020] =	vst v63  }
.LBB1_5:
0x1e: {  	p1 =	slt.u32 s13, $0x2  }
0x1f: {  	p2 =	sgt.s32 @!p1 s15, $0x3  }
0x20: {  	s16 =	smov.u32 s15;
	s17 =	sshra.s32 @!p1 s15, $0x1F;
	p2 =	por !p2, p1  }
0x21: {  	s18 =	sshra.s32 @!p1 s14, $0x1F;
	s16 =	simm.s32 @p2 $0x3;
	p2 =	sgt.s32 @!p1 s14, $0xC3480  }
0x22: {  	s15 =	sand.u32 @!p1 s17, s15;
	s17 =	smov.u32 s14;
	p2 =	por !p2, p1  }
0x23: {  	s14 =	sand.u32 @!p1 s18, s14;
	s15 =	ssub.s32 @!p1 s16, s15;
	s17 =	simm.s32 @p2 $0xC3480  }
0x24: {  	s15 =	sadd.s32 @!p1 $0xFFFFFFFD, s15;
	s14 =	ssub.s32 @!p1 s17, s14  }
0x25: {  	s18 =	smov.u32 s12;
	s16 =	sshll.u32 @!p1 s15, $0x4;
	s17 =	sadd.s32 @!p1 $0xFFF3CB80, s14  }
0x26: {  	p2 =	sgt.s32 @!p1 s15, $0x1;
	s15 =	ssub.s32 @!p1 $0x20, s16;
	p3 =	sgt.s32 @!p1 s17, $0x7F  }
0x27: {  	p2 =	por !p2, p1;
	s14 =	ssub.s32 @!p1 $0xC3500, s14;
	p3 =	por !p3, p1  }
0x28: {  	s16 =	sadd.s32 $0x2, s11;
	s15 =	simm.s32 @!p2 $0x0;
	s14 =	simm.s32 @!p3 $0x0  }
0x29: {  	p2 =	sgt.s32 s16, $0x4;
	s14 =	smul.u32 @!p1 s14, s15;
	s15 =	sadd.s32 $0x1000, s12  }
0x2a: {  	s18 =	smov.u32 @p2 s15  }
0x2b: {  	s16 =	simm.s32 @p2 $0x0;
	p2 =	sgt.s32 s18, $0xC34FF  }
0x2c: {  	p0 =	por !p0, !p0;
	s18 =	smov.u32 @p2 s2;
	p2 =	sne.s32 s13, s7  }
.Ltmp1:
0x2d: {  	s17 =	simm.s32 @!p1 $0x2;
	s14 =	sshrl.u32 @!p1 s14, $0x1;
	(pc) =	sbr.rel @!p2 .LBB1_6-.Ltmp1, $4  }
0x2e: {  	s15 =	smov.u32 s9;
	s9 =	smov.u32 s11;
	s14 =	sand.u32 @!p1 $0x3FFFFFF8, s14  }
0x2f: {  	s11 =	smov.u32 s16;
	s13 =	sadd.s32 $0x1, s13;
	_ =	swait.ge @!p1 [sflag:s17], s14  }
0x30: {  	s19 =	ssub.s32 @!p1 $0x0, s14;
	s14 =	smov.u32 s10;
	[sflag:s17] =	ssyncset.done @!p1 $0x0  }
0x31: {  	s10 =	smov.u32 s12;
	s12 =	smov.u32 s18;
	[sflag:s17] =	ssyncadd.s32 @!p1 s19  }
.LBB1_1:
0x32: {  	p1 =	sge.u32 s13, s4  }
0x33: {  	s16 =	sshll.u32 @!p1 s12, $0x6;
	s17 =	sshll.u32 @!p1 s11, $0x3  }
0x34: {  	s18 =	sxor.u32 @!p1 $0xFFFFFFFF, s13;
	s17 =	sand.u32 @!p1 $0x30, s17;
	s16 =	sadd.s32 @!p1 s5, s16  }
0x35: {  	s31 =	sadd.s32 $0xFFFFFFFF, s13;
	s16 =	sadd.s32 @!p1 s17, s16;
	s17 =	sshll.u32 @!p1 s18, $0xB  }
0x36: {  	s19 =	simm.s32 @!p1 $0x200;
	s18 =	simm.s32 @!p1 $0x10;
	s17 =	sand.u32 @!p1 $0x800, s17  }
0x37: {  	[tilespmem:s17], [sflag:$0x1] =	stream.strided.gather @!p1 [hbm4b:s16+s18], $0x800, s19, s18, $0x38;
	[tilespmem:$0x2020] =	vst v63  }
0x38: {  	p1 =	sge.u32 s31, s4  }
.Ltmp2:
0x39: {  	_ = 	snop;
	(pc) =	sbr.rel @p1 .LBB1_5-.Ltmp2, $1  }
0x3a: {  	_ =	sdelay $0x3  }
0x3b: {  	s16 =	simm.s32 $0x1  }
0x3c: {  	s16 =	simm.s32 @!p0 $0x0  }
0x3d: {  	s17 =	sshll.u32 s16, $0xB  }
0x3e: {  	v2 =	vmov s17;
	_ =	sdelay $0x1  }
0x3f: {  	_ =	swait.ge [sflag:s3], $0x800  }
0x40: {  	[sflag:s3] =	ssyncset.done $0x0  }
0x41: {  	s28 =	simm.s32 $0x0;
	[sflag:s3] =	ssyncadd.s32 $0xFFFFF800  }
0x42: {  	v0 =	vld.idx.msk [tilespmem:v2+s28+$0x0 ss:$0x1], $0xffff;
	_ =	sdelay $0x4  }
0x43: {  	s29 =	sand.u32 $0x1, s13;
	s31 =	simm.s32 $0x10;
	s16 =	smul.u32 $0x2040, s16;
	v0 =	vperm.xlane.i2c.b16 v0  }
0x44: {  	s18 =	smul.u32 $0x2040, s29;
	v1 =	vld.idx.msk [tilespmem:v2+s31+$0x0 ss:$0x1], $0xffff  }
0x45: {  	s16 =	sshrl.u32 s16, $0x2;
	v3 =	vcombine.low v0, v0  }
0x46: {  	s30 =	sshrl.u32 s18, $0x2;
	s17 =	sor.u32 $0x1000, s16;
	v0 =	vcombine.high v0, v0  }
0x47: {  	s18 =	simm.s32 $0x80;
	s16 =	sor.u32 $0x1000, s30;
	[tilespmem:s17+$0x0 ss:$0x81] =	vst.msk $0xff, v3  }
.LBB1_3:
0x48: {  	s19 =	sshra.s32 s18, $0x2;
	[tilespmem:s17+$0x408 ss:$0x81] =	vst.msk $0xff, v0;
	p1 =	sne.s32 s18, $0x1FC0  }
.Ltmp3:
0x49: {  	s18 =	sadd.s32 $0x40, s18;
	v0 =	vperm.xlane.i2c.b16 v1;
	v1 =	vld.idx.msk [tilespmem:v2+s19+$0x0 ss:$0x1], $0xffff;
	(pc) =	sbr.rel @p1 .LBB1_3-.Ltmp3, $4  }
0x4a: {  	_ = 	snop  }
0x4b: {  	v3 =	vcombine.low v0, v0  }
0x4c: {  	s17 =	sadd.s32 $0x1, s17;
	v0 =	vcombine.high v0, v0  }
0x4d: {  	[tilespmem:s17+$0x0 ss:$0x81] =	vst.msk $0xff, v3  }
.Ltmp4:
0x4e: {  	_ = 	snop;
	(pc) =	sbr.rel .LBB1_4-.Ltmp4, $1  }
0x4f: {  	_ =	sdelay $0x3  }
.LBB1_6:
0x50: {  	_ =	sfence.sel $0x180000  }
0x51: {  	s2 =	simm.s32 $0x1;
	[bflag:$0x0] =	sbarrier.arrive $0xFFFF  }
0x52: {  	s31 =	simm.s32 $0x2;
	[sflag:s2] =	ssyncpa.u1 $0x1  }
0x53: {  	[sflag:s31] =	ssyncpa.u1 $0x1  }
0x54: {  	p0 =	sne.s32 s0, $0x0;
	_ =	strace $0x9000004A  }
0x55: {  	s0 =	sadd.s32 @!p0 $0x100000, s1;
	[bflag:$0x2] =	sbarrier.arrive $0xFFFF  }
0x56: {  	[sflag:s0] =	ssyncadd.tile.s32 @!p0 $0x1;
	_ =	shalt  }
.Lfunc_end1:
_tile_overlayer_lowered:
.L_overlay_start_2:
0x57: {  	(tag) =	ssettag $0x2  }
0x58: {  	s0 =	rddreg [dreg:$0x0];
	s2 =	stileid.u32  }
0x59: {  	s1 =	rddreg [dreg:$0x1];
	p0 =	sne.s32 s2, $0x0  }
0x5a: {  	s3 =	rddreg [dreg:$0x2];
	[bflag:$0x3] =	sbarrier.arrive $0xFFFF;
	s2 =	simm.s32 @!p0 $0x1C01  }
0x5b: {  	[timem:s3], [sflag:s2] =	dma.local @!p0 [hbm:s0], s1  }
0x5c: {  	s0 =	simm.s32 @!p0 $0x1  }
0x5d: {  	_ =	swait.ge @!p0 [sflag:s0], s1  }
0x5e: {  	s1 =	ssub.s32 @!p0 $0x0, s1;
	[sflag:s0] =	ssyncset.done @!p0 $0x0  }
0x5f: {  	[sflag:s0] =	ssyncadd.s32 @!p0 s1  }
0x60: {  	[bflag:$0x3] =	sbarrier.arrive $0xFFFF  }
0x61: {  	_ =	shalt  }

// kernel: sparse-core-data-format-call.cloned.1.call-start
scs
called_computation_lowered:
.L_overlay_start_0:
0x0: {  	s1 =	sld [smem:$0x3FD9]  }
0x1: {  	s2 =	sld [smem:$0x3FFE];
	_ =	sdelay $0x1  }
0x2: {  	s3 =	srdreg.scid  }
0x3: {  	s0 =	sand.u32 $0x1, s3  }
0x4: {  	s17 =	sshll.u32 s0, $0xA;
	s1 =	sadd.s32 s2, s1  }
0x5: {  	s1 =	sadd.s32 s1, s17  }
0x6: {  	[smem:$0x3FA9] =	sst s1  }
0x7: {  	_ = 	snop  }
0x8: {  	(tm) =	ssettm $0x1  }
0x9: {  	s18 =	sld [smem:$0x3FFB];
	_ =	sdelay $0x3  }
0xa: {  	_ =	strace s18  }
0xb: {  	s1 =	sld [smem:$0x3FFC];
	_ =	sdelay $0x3  }
0xc: {  	_ =	strace s1  }
0xd: {  	s1 =	sld [smem:$0x3FFD];
	_ =	sdelay $0x3  }
0xe: {  	_ =	strace s1  }
0xf: {  	_ =	strace $0x8FFFFFFF  }
0x10: {  	s19 =	sld [smem:$0x3FDB];
	_ =	sdelay $0x1  }
0x11: {  	s20 =	simm.s32 $_scs_section_size  }
0x12: {  	s4 =	simm.s32 $_size__tile_overlayer_lowered;
	s5 =	simm.s32 $_tile_overlayer_lowered  }
0x13: {  	s23 =	simm.s32 $0x1BFF;
	s22 =	sshll.u32 s5, $0x1;
	s1 =	sadd.s32 s20, s19  }
0x14: {  	s6 =	simm.s32 $0x0;
	s21 =	sshll.u32 s4, $0x1;
	s4 =	sadd.s32 s22, s1  }
0x15: {  	[timem:s6], [sflag:s23] =	dma.local [hbm:s4], s21  }
0x16: {  	_ =	swait.ge [sflag:s23], s21  }
0x17: {  	s2 =	ssub.s32 $0x0, s21;
	[sflag:s23] =	ssyncset.done $0x0  }
0x18: {  	[sflag:s23] =	ssyncadd.s32 s2;
	_ =	sdelay $0x1  }
0x19: {  	s24 =	simm.s32 $0x1B8B  }
0x1a: {  	_ =	swait.ge [sflag:s24], $0x1  }
0x1b: {  	[sflag:s24] =	ssyncset.done $0x0  }
0x1c: {  	s26 =	simm.s32 $0x1B8E;
	s25 =	sld [smem:$0x3FFE];
	[sflag:s24] =	ssyncadd.s32 $0xFFFFFFFF  }
0x1d: {  	s27 =	simm.s32 $execute0_lowered;
	[smem:$0x3FD2] =	sst s26  }
0x1e: {  	s4 =	sshll.u32 s27, $0x1;
	_ =	strace $0x80000055;
	[dreg:$0x1] =	wrdreg $0xFFFFFFFF  }
0x1f: {  	s28 =	simm.s32 $_size_execute0_lowered;
	s1 =	sadd.s32 s1, s4;
	[dreg:$0x0] =	wrdreg $0x0  }
0x20: {  	s4 =	sshll.u32 s28, $0x1;
	[dreg:$0x2] =	wrdreg s1  }
0x21: {  	[dreg:$0x3] =	wrdreg s4  }
0x22: {  	[dreg:$0x4] =	wrdreg $0xC0  }
0x23: {  	_ =	task [dreg:s6], $0x5FFFF  }
0x24: {  	[dreg:$0x1] =	wrdreg $0xFFFFFFFF  }
0x25: {  	[dreg:$0x0] =	wrdreg $0x60  }
0x26: {  	[dreg:$0x2] =	wrdreg s25  }
0x27: {  	[dreg:$0x3] =	wrdreg $0x9  }
0x28: {  	_ =	task.clear_ibuf [dreg:s6], $0x4FFFF;
	_ =	strace $0x90000055  }
0x29: {  	s29 =	simm.s32 $0x9;
	_ =	strace $0x80000057  }
0x2a: {  	_ =	swait.ge [sflag:s29], $0x1  }
0x2b: {  	[sflag:s29] =	ssyncadd.s32 $0xFFFFFFFF  }
0x2c: {  	_ =	strace $0x90000057  }
0x2d: {  	_ =	sfence  }
0x2e: {  	s30 =	sld [smem:$0x0];
	_ =	sdelay $0x2  }
0x2f: {  	s31 =	sshll.u32 s3, $0xD;
	s3 =	sshrl.u32 s3, $0x2  }
0x30: {  	s2 =	sand.u32 $0x4000, s31;
	s1 =	sadd.s32 s3, s30  }
0x31: {  	s0 =	sor.u32 s2, s0;
	s1 =	sshll.u32 s1, $0x11  }
0x32: {  	s0 =	sor.u32 s1, s0  }
0x33: {  	s0 =	sadd.s32 $0x8F2B, s0  }
0x34: {  	[sflag:s0] =	ssyncadd.remote.s32 $0x1  }
0x35: {  	_ =	sfence.sel $0xFFFF  }
0x36: {  	[dreg:$0x0] =	wrdreg $0xFFFFFFFF;
	(pc) =	sbr.abs _section_cstart, $3  }
0x37: {  	[dreg:$0x1] =	wrdreg $0xFFFFFFFF  }
0x38: {  	_ =	task.clear_ibuf [dreg:s6], $0x2FFFF;
	_ =	strace $0x9FFFFFFF  }
0x39: {  	(tm) =	ssettm $0x7FFFFFFF  }
tec
execute0_lowered:
.L_overlay_start_1:
0x0: {  	(tag) =	ssettag $0x1  }
0x1: {  	s0 =	srdreg.scid  }
0x2: {  	s1 =	sshll.u32 s0, $0x4  }
0x3: {  	s0 =	stileid.u32;
	s1 =	sand.u32 $0x10, s1  }
0x4: {  	s6 =	rddreg [dreg:$0x0];
	s4 =	simm.s32 $0x1;
	s1 =	sor.u32 s0, s1  }
0x5: {  	s7 =	simm.s32 $0x2;
	s14 =	simm.s32 $0x0;
	s2 =	sshll.u32 s1, $0x8  }
0x6: {  	s8 =	simm.s32 $0x400;
	s13 =	simm.s32 $0x0;
	s3 =	ssub.s32 $0xC3500, s2  }
0x7: {  	s15 =	simm.s32 $0x0;
	s10 =	simm.s32 $0x0;
	s31 =	sand.u32 $0x1F00, s3  }
0x8: {  	s11 =	simm.s32 $0x0;
	s1 =	rddreg [dreg:$0x1];
	p0 =	sne.s32 s31, $0x0  }
.Ltmp0:
0x9: {  	s5 =	sshrl.u32 s3, $0xD;
	s4 =	simm.s32 @!p0 $0x0;
	(pc) =	sbr.rel .LBB1_1-.Ltmp0, $4  }
0xa: {  	_ =	strace $0x80000056;
	s3 =	simm.s32 $0x1;
	s4 =	sadd.s32 s4, s5  }
0xb: {  	s12 =	simm.s32 $0x0;
	[sflag:s3] =	ssyncpa.u1 $0x0;
	s4 =	smul.u32 $0x5, s4  }
0xc: {  	s9 =	smov.u32 s2;
	[sflag:s7] =	ssyncpa.u1 $0x0;
	p0 =	por $0x0, $0x0  }
0xd: {  	s5 =	sadd.s32 $0xD13C00, s6;
	s6 =	sadd.s32 $0x14B4E00, s6;
	s7 =	sadd.s32 $0x1, s4  }
.LBB1_4:
0xe: {  	_ = 	snop  }
0xf: {  	[tilespmem:s20+$0x660 ss:$0x11] =	vst.msk $0xffff, v8  }
0x10: {  	[tilespmem:s20+$0x770 ss:$0x11] =	vst.msk $0xffff, v7  }
0x11: {  	[tilespmem:s20+$0x990 ss:$0x11] =	vst.msk $0xffff, v1  }
0x12: {  	s23 =	sor.u32 s26, s25;
	v47 =	vld.idx.msk [tilespmem:v0+s18+$0x470 ss:$0x1], $0xffff;
	[tilespmem:s20+$0xAA0 ss:$0x11] =	vst.msk $0xffff, v2  }
0x13: {  	[tilespmem:s20+$0xBB0 ss:$0x11] =	vst.msk $0xffff, v3;
	v57 =	vld.idx.msk [tilespmem:v0+s23+$0x410 ss:$0x1], $0xffff  }
0x14: {  	[tilespmem:s20+$0xCC0 ss:$0x11] =	vst.msk $0xffff, v4;
	v58 =	vld.idx.msk [tilespmem:v0+s23+$0x420 ss:$0x1], $0xffff  }
0x15: {  	[tilespmem:s20+$0xDD0 ss:$0x11] =	vst.msk $0xffff, v5;
	v59 =	vld.idx.msk [tilespmem:v0+s23+$0x430 ss:$0x1], $0xffff  }
0x16: {  	s29 =	sshra.s32 s21, $0x2;
	[tilespmem:s20+$0xEE0 ss:$0x11] =	vst.msk $0xffff, v6;
	v60 =	vld.idx.msk [tilespmem:v0+s23+$0x440 ss:$0x1], $0xffff  }
0x17: {  	s24 =	sand.u32 $0xB00, s23;
	s18 =	sadd.s32 s29, s19;
	v61 =	vld.idx.msk [tilespmem:v0+s23+$0x450 ss:$0x1], $0xffff;
	[tilespmem:s20+$0xFF0 ss:$0x11] =	vst.msk $0xffff, v47  }
0x18: {  	s22 =	sand.u32 $0x80, s22;
	v62 =	vld.idx.msk [tilespmem:v0+s23+$0x460 ss:$0x1], $0xffff;
	s17 =	sadd.s32 s24, s17;
	[tilespmem:s18+$0x990 ss:$0x11] =	vst.msk $0xffff, v57  }
0x19: {  	v63 =	vld.idx.msk [tilespmem:v0+s23+$0x470 ss:$0x1], $0xffff;
	s17 =	sadd.s32 s22, s17;
	[tilespmem:s18+$0xAA0 ss:$0x11] =	vst.msk $0xffff, v58  }
0x1a: {  	v48 =	vld [tilespmem:s17+$0x400];
	[tilespmem:s18+$0xBB0 ss:$0x11] =	vst.msk $0xffff, v59  }
0x1b: {  	v49 =	vld [tilespmem:s17+$0x0];
	[tilespmem:s18+$0xCC0 ss:$0x11] =	vst.msk $0xffff, v60  }
0x1c: {  	v50 =	vld [tilespmem:s17+$0x10];
	[tilespmem:s18+$0xDD0 ss:$0x11] =	vst.msk $0xffff, v61  }
0x1d: {  	v51 =	vld [tilespmem:s17+$0x20];
	[tilespmem:s18+$0xEE0 ss:$0x11] =	vst.msk $0xffff, v62  }
0x1e: {  	v52 =	vld [tilespmem:s17+$0x30];
	[tilespmem:s18+$0xFF0 ss:$0x11] =	vst.msk $0xffff, v63  }
0x1f: {  	v53 =	vld [tilespmem:s17+$0x40];
	[tilespmem:s18+$0x880 ss:$0x11] =	vst.msk $0xffff, v48  }
0x20: {  	v54 =	vld [tilespmem:s17+$0x50];
	[tilespmem:s18+$0x0 ss:$0x11] =	vst.msk $0xffff, v49  }
0x21: {  	v55 =	vld [tilespmem:s17+$0x60];
	[tilespmem:s18+$0x110 ss:$0x11] =	vst.msk $0xffff, v50  }
0x22: {  	v56 =	vld [tilespmem:s17+$0x70];
	[tilespmem:s18+$0x220 ss:$0x11] =	vst.msk $0xffff, v51  }
0x23: {  	s15 =	sshll.u32 s15, $0x4;
	[tilespmem:s18+$0x330 ss:$0x11] =	vst.msk $0xffff, v52  }
0x24: {  	s14 =	sshll.u32 s14, $0x7;
	s15 =	sand.u32 $0x70, s15;
	[tilespmem:s18+$0x440 ss:$0x11] =	vst.msk $0xffff, v53  }
0x25: {  	s30 =	sshrl.u32 s13, $0x3;
	s31 =	sand.u32 $0x7, s13;
	s15 =	sadd.s32 s6, s15;
	[tilespmem:s18+$0x550 ss:$0x11] =	vst.msk $0xffff, v54  }
0x26: {  	s13 =	sshll.u32 s31, $0x12;
	s14 =	sadd.s32 s14, s15;
	s17 =	sand.u32 $0xF, s30;
	[tilespmem:s18+$0x660 ss:$0x11] =	vst.msk $0xffff, v55  }
0x27: {  	s13 =	sor.u32 $0x10, s13;
	s14 =	sadd.s32 s17, s14;
	[tilespmem:s18+$0x770 ss:$0x11] =	vst.msk $0xffff, v56  }
0x28: {  	[hbm4b:s14+s13] =	stream.strided.scatter [tilespmem:s16], [sflag:$0x2], $0x1000, s8, s13, $0x8;
	[tilespmem:$0x4200] =	vst v63  }
.LBB1_5:
0x29: {  	s16 =	sadd.s32 $0x2000, s9  }
0x2a: {  	s13 =	sadd.s32 $0x10, s10;
	s17 =	smov.u32 s10;
	p2 =	sgt.s32 s16, $0xC34FF  }
0x2b: {  	s17 =	smov.u32 @p2 s13  }
0x2c: {  	s13 =	simm.s32 $0x1;
	p3 =	sgt.s32 s17, $0xF  }
0x2d: {  	s13 =	simm.s32 @!p3 $0x0  }
0x2e: {  	s19 =	sadd.s32 s13, s11  }
0x2f: {  	s16 =	smov.u32 @p2 s2;
	p2 =	sgt.s32 s19, $0x4  }
0x30: {  	p1 =	slt.u32 s12, $0x2;
	s19 =	simm.s32 @p2 $0x0;
	p2 =	sne.s32 s12, s7  }
.Ltmp1:
0x31: {  	s18 =	simm.s32 @!p1 $0x2;
	(pc) =	sbr.rel @!p2 .LBB1_6-.Ltmp1, $4  }
0x32: {  	s14 =	smov.u32 s9;
	s15 =	smov.u32 s11;
	_ =	swait.ge @!p1 [sflag:s18], $0x1000  }
0x33: {  	p0 =	por !p0, !p0;
	[sflag:s18] =	ssyncset.done @!p1 $0x0;
	s9 =	smov.u32 s16  }
0x34: {  	s17 =	simm.s32 @p3 $0x0;
	[sflag:s18] =	ssyncadd.s32 @!p1 $0xFFFFF000;
	s13 =	smov.u32 s10  }
0x35: {  	s10 =	smov.u32 s17;
	s12 =	sadd.s32 $0x1, s12;
	s11 =	smov.u32 s19  }
.LBB1_1:
0x36: {  	p1 =	sge.u32 s12, s4  }
0x37: {  	s16 =	sshrl.u32 @!p1 s10, $0x3  }
0x38: {  	s17 =	sshll.u32 @!p1 s9, $0x3;
	s16 =	smul.u32 @!p1 $0x61A800, s16  }
0x39: {  	s18 =	sshll.u32 @!p1 s10, $0x7;
	s17 =	sand.u32 @!p1 $0xFFFFFC00, s17  }
0x3a: {  	s16 =	sadd.s32 @!p1 s16, s17;
	s17 =	sand.u32 @!p1 $0x380, s18  }
0x3b: {  	s16 =	sor.u32 @!p1 s17, s16  }
0x3c: {  	s17 =	sshrl.u32 @!p1 s16, $0x8  }
0x3d: {  	s17 =	smulhi.u32 @!p1 $0x14F8B59, s17;
	_ =	sdelay $0x1  }
0x3e: {  	s31 =	sadd.s32 $0xFFFFFFFF, s12;
	s17 =	sshrl.u32 @!p1 s17, $0x4  }
0x3f: {  	s19 =	sand.u32 @!p1 $0x7F, s9;
	s18 =	sxor.u32 @!p1 $0xFFFFFFFF, s12;
	s20 =	smul.u32 @!p1 $0xC3500, s17  }
0x40: {  	s16 =	sor.u32 @!p1 s19, s16;
	s19 =	smul.u32 @!p1 $0x186A00, s11;
	s17 =	sand.u32 @!p1 $0xF, s17  }
0x41: {  	s18 =	sshll.u32 @!p1 s18, $0xC;
	s17 =	smul.u32 @!p1 $0x186A0, s17;
	s16 =	ssub.s32 @!p1 s16, s20  }
0x42: {  	s18 =	sand.u32 @!p1 $0x1000, s18;
	s19 =	sadd.s32 @!p1 s5, s19;
	s20 =	sand.u32 @!p1 $0x7, s16  }
0x43: {  	s16 =	sshrl.u32 @!p1 s16, $0x3;
	s17 =	sadd.s32 @!p1 s17, s19;
	s19 =	sshll.u32 @!p1 s20, $0x12  }
0x44: {  	s16 =	sadd.s32 @!p1 s16, s17;
	s17 =	sor.u32 @!p1 $0x800, s19;
	s19 =	simm.s32 @!p1 $0x61A800  }
0x45: {  	[tilespmem:s18], [sflag:$0x1] =	stream.strided.gather @!p1 [hbm4b:s16+s17], $0x1000, s19, s17, $0x38;
	[tilespmem:$0x4200] =	vst v63  }
0x46: {  	p1 =	sge.u32 s31, s4  }
.Ltmp2:
0x47: {  	_ = 	snop;
	(pc) =	sbr.rel @p1 .LBB1_5-.Ltmp2, $1  }
0x48: {  	_ =	sdelay $0x3  }
0x49: {  	s19 =	simm.s32 $0x0  }
0x4a: {  	s18 =	sand.u32 $0x800, s19;
	s20 =	sand.u32 $0x380, s19  }
0x4b: {  	s16 =	sand.u32 $0x1, s12;
	s18 =	sor.u32 s20, s18  }
0x4c: {  	_ =	swait.ge [sflag:s3], $0x1000;
	s17 =	sshll.u32 s16, $0xC;
	s20 =	sand.u32 $0xB00, s18  }
0x4d: {  	[sflag:s3] =	ssyncset.done $0x0;
	s19 =	sand.u32 $0x80, s19;
	s20 =	sadd.s32 s20, s17  }
0x4e: {  	[sflag:s3] =	ssyncadd.s32 $0xFFFFF000;
	s22 =	sadd.s32 s19, s20  }
0x4f: {  	v4 =	vld [tilespmem:s22+$0x400]  }
0x50: {  	s21 =	simm.s32 $0x1;
	v5 =	vld [tilespmem:s22+$0x0]  }
0x51: {  	s21 =	simm.s32 @!p0 $0x0;
	v6 =	vld [tilespmem:s22+$0x10]  }
0x52: {  	v0 =	vmov s17;
	s31 =	smul.u32 $0x4400, s21;
	v7 =	vld [tilespmem:s22+$0x20]  }
0x53: {  	v9 =	vld [tilespmem:s22+$0x30]  }
0x54: {  	s19 =	sshrl.u32 s31, $0x2;
	v10 =	vld [tilespmem:s22+$0x40]  }
0x55: {  	s19 =	sor.u32 $0x2000, s19;
	v11 =	vld [tilespmem:s22+$0x50]  }
0x56: {  	v8 =	vld [tilespmem:s22+$0x60];
	s20 =	sadd.s32 $0x0, s19  }
0x57: {  	v1 =	vld.idx.msk [tilespmem:v0+s18+$0x410 ss:$0x1], $0xffff;
	[tilespmem:s20+$0x880 ss:$0x11] =	vst.msk $0xffff, v4  }
0x58: {  	v2 =	vld.idx.msk [tilespmem:v0+s18+$0x420 ss:$0x1], $0xffff;
	[tilespmem:s20+$0x0 ss:$0x11] =	vst.msk $0xffff, v5  }
0x59: {  	v3 =	vld.idx.msk [tilespmem:v0+s18+$0x430 ss:$0x1], $0xffff;
	[tilespmem:s20+$0x110 ss:$0x11] =	vst.msk $0xffff, v6  }
0x5a: {  	s16 =	smul.u32 $0x4400, s16;
	[tilespmem:s20+$0x220 ss:$0x11] =	vst.msk $0xffff, v7;
	v7 =	vld [tilespmem:s22+$0x70]  }
0x5b: {  	s23 =	simm.s32 $0x100;
	s24 =	simm.s32 $0x8;
	[tilespmem:s20+$0x330 ss:$0x11] =	vst.msk $0xffff, v9;
	v4 =	vld.idx.msk [tilespmem:v0+s18+$0x440 ss:$0x1], $0xffff  }
0x5c: {  	s25 =	sand.u32 $0x800, s23;
	s16 =	sshrl.u32 s16, $0x2;
	[tilespmem:s20+$0x440 ss:$0x11] =	vst.msk $0xffff, v10;
	v5 =	vld.idx.msk [tilespmem:v0+s18+$0x450 ss:$0x1], $0xffff;
	s22 =	simm.s32 $0x80  }
0x5d: {  	s21 =	simm.s32 $0x4;
	s16 =	sor.u32 $0x2000, s16;
	[tilespmem:s20+$0x550 ss:$0x11] =	vst.msk $0xffff, v11;
	v6 =	vld.idx.msk [tilespmem:v0+s18+$0x460 ss:$0x1], $0xffff;
	s26 =	sand.u32 $0x380, s22  }
.LBB1_3:
0x5e: {  	p1 =	sne.s32 s24, $0x3C;
	[tilespmem:s20+$0x660 ss:$0x11] =	vst.msk $0xffff, v8;
	v8 =	vld.idx.msk [tilespmem:v0+s18+$0x470 ss:$0x1], $0xffff;
	s18 =	sor.u32 s26, s25  }
0x5f: {  	s25 =	sand.u32 $0xB00, s18;
	v9 =	vld.idx.msk [tilespmem:v0+s18+$0x410 ss:$0x1], $0xffff;
	[tilespmem:s20+$0x770 ss:$0x11] =	vst.msk $0xffff, v7  }
0x60: {  	s26 =	sand.u32 $0x80, s22;
	s25 =	sadd.s32 s25, s17;
	v7 =	vld.idx.msk [tilespmem:v0+s18+$0x420 ss:$0x1], $0xffff;
	[tilespmem:s20+$0x990 ss:$0x11] =	vst.msk $0xffff, v1  }
0x61: {  	s25 =	sadd.s32 s26, s25;
	v10 =	vld.idx.msk [tilespmem:v0+s18+$0x430 ss:$0x1], $0xffff;
	[tilespmem:s20+$0xAA0 ss:$0x11] =	vst.msk $0xffff, v2  }
0x62: {  	v11 =	vld [tilespmem:s25+$0x400];
	[tilespmem:s20+$0xBB0 ss:$0x11] =	vst.msk $0xffff, v3  }
0x63: {  	v12 =	vld [tilespmem:s25+$0x0];
	[tilespmem:s20+$0xCC0 ss:$0x11] =	vst.msk $0xffff, v4  }
0x64: {  	v4 =	vld [tilespmem:s25+$0x10];
	[tilespmem:s20+$0xDD0 ss:$0x11] =	vst.msk $0xffff, v5  }
0x65: {  	s26 =	sshra.s32 s21, $0x2;
	s21 =	smov.u32 s24;
	v1 =	vmov v9;
	v5 =	vld [tilespmem:s25+$0x20];
	[tilespmem:s20+$0xEE0 ss:$0x11] =	vst.msk $0xffff, v6  }
0x66: {  	v2 =	vmov v7;
	v6 =	vld [tilespmem:s25+$0x30];
	[tilespmem:s20+$0xFF0 ss:$0x11] =	vst.msk $0xffff, v8;
	s20 =	sadd.s32 s26, s19  }
0x67: {  	v3 =	vmov v10;
	v9 =	vld [tilespmem:s25+$0x40];
	[tilespmem:s20+$0x880 ss:$0x11] =	vst.msk $0xffff, v11  }
0x68: {  	[tilespmem:s20+$0x0 ss:$0x11] =	vst.msk $0xffff, v12;
	v10 =	vld [tilespmem:s25+$0x50]  }
.Ltmp3:
0x69: {  	[tilespmem:s20+$0x110 ss:$0x11] =	vst.msk $0xffff, v4;
	v8 =	vld [tilespmem:s25+$0x60];
	(pc) =	sbr.rel @p1 .LBB1_3-.Ltmp3, $4  }
0x6a: {  	[tilespmem:s20+$0x220 ss:$0x11] =	vst.msk $0xffff, v5;
	v7 =	vld [tilespmem:s25+$0x70]  }
0x6b: {  	[tilespmem:s20+$0x330 ss:$0x11] =	vst.msk $0xffff, v6;
	v4 =	vld.idx.msk [tilespmem:v0+s18+$0x440 ss:$0x1], $0xffff  }
0x6c: {  	s22 =	sadd.s32 $0x80, s22;
	s23 =	sadd.s32 $0x100, s23;
	[tilespmem:s20+$0x440 ss:$0x11] =	vst.msk $0xffff, v9;
	v5 =	vld.idx.msk [tilespmem:v0+s18+$0x450 ss:$0x1], $0xffff  }
0x6d: {  	s24 =	sadd.s32 $0x4, s24;
	s26 =	sand.u32 $0x380, s22;
	s25 =	sand.u32 $0x800, s23;
	[tilespmem:s20+$0x550 ss:$0x11] =	vst.msk $0xffff, v10;
	v6 =	vld.idx.msk [tilespmem:v0+s18+$0x460 ss:$0x1], $0xffff  }
.Ltmp4:
0x6e: {  	_ = 	snop;
	(pc) =	sbr.rel .LBB1_4-.Ltmp4, $1  }
0x6f: {  	_ =	sdelay $0x3  }
.LBB1_6:
0x70: {  	_ =	sfence.sel $0x180000  }
0x71: {  	s2 =	simm.s32 $0x1;
	[bflag:$0x0] =	sbarrier.arrive $0xFFFF  }
0x72: {  	s31 =	simm.s32 $0x2;
	[sflag:s2] =	ssyncpa.u1 $0x1  }
0x73: {  	[sflag:s31] =	ssyncpa.u1 $0x1  }
0x74: {  	p0 =	sne.s32 s0, $0x0;
	_ =	strace $0x90000056  }
0x75: {  	s0 =	sadd.s32 @!p0 $0x100000, s1;
	[bflag:$0x2] =	sbarrier.arrive $0xFFFF  }
0x76: {  	[sflag:s0] =	ssyncadd.tile.s32 @!p0 $0x1;
	_ =	shalt  }
.Lfunc_end1:
_tile_overlayer_lowered:
.L_overlay_start_2:
0x77: {  	(tag) =	ssettag $0x2  }
0x78: {  	s0 =	rddreg [dreg:$0x0];
	s2 =	stileid.u32  }
0x79: {  	s1 =	rddreg [dreg:$0x1];
	p0 =	sne.s32 s2, $0x0  }
0x7a: {  	s3 =	rddreg [dreg:$0x2];
	[bflag:$0x3] =	sbarrier.arrive $0xFFFF;
	s2 =	simm.s32 @!p0 $0x1C01  }
0x7b: {  	[timem:s3], [sflag:s2] =	dma.local @!p0 [hbm:s0], s1  }
0x7c: {  	s0 =	simm.s32 @!p0 $0x1  }
0x7d: {  	_ =	swait.ge @!p0 [sflag:s0], s1  }
0x7e: {  	s1 =	ssub.s32 @!p0 $0x0, s1;
	[sflag:s0] =	ssyncset.done @!p0 $0x0  }
0x7f: {  	[sflag:s0] =	ssyncadd.s32 @!p0 s1  }
0x80: {  	[bflag:$0x3] =	sbarrier.arrive $0xFFFF  }
0x81: {  	_ =	shalt  }

</sc_bundles>
